<compile_context>
chip_gen: v7x
topology: tpu7x:2x2x1
jax: 0.10.2.dev20260603
libtpu: 0.0.44.dev20260713+nightly
codegen_flags: <defaults>
</compile_context>

<pallas_src>
import functools

import jax
import jax.numpy as jnp
from jax import lax
from jax.experimental import pallas as pl
from jax.experimental.pallas import tpu as pltpu
from jax.experimental.pallas import tpu_sc as plsc

BATCH = 128
FEATS = 512
CB_DIM = 4
NCODES = 4096
NTOK = (BATCH * FEATS) // CB_DIM

NC = 2
NS = 16
L = 16
NW = NC * NS
TPT = NTOK // NW
ACC_W = NCODES * 5
STRIPE = ACC_W // NS
TSTRIPE = (NCODES * CB_DIM) // NS

TOK_BLK = 1024
N_BLK = NTOK // TOK_BLK


def _norm_body(x_ref, xn_ref, s_ref):
    xv = x_ref[...]
    s = jnp.mean(jnp.abs(xv), axis=1, keepdims=True)
    xn_ref[...] = xv / s
    s_ref[...] = s


def _normalize(x):
    return pl.pallas_call(
        _norm_body,
        out_shape=[
            jax.ShapeDtypeStruct((BATCH, FEATS), jnp.float32),
            jax.ShapeDtypeStruct((BATCH, 1), jnp.float32),
        ],
    )(x)


def _argmin_body(flat_ref, cbt_ref, aa_ref, bb_ref, idx_ref):
    f = flat_ref[...]
    ct = cbt_ref[...]
    d = jnp.dot(f.astype(jnp.bfloat16), ct.astype(jnp.bfloat16),
                preferred_element_type=jnp.float32)
    aa = aa_ref[...]
    bb = bb_ref[...]
    key = jnp.sqrt(jnp.maximum((aa + bb) - 2.0 * d, 0.0))
    m = jnp.min(key, axis=1, keepdims=True)
    iot = lax.broadcasted_iota(jnp.int32, key.shape, 1)
    idx = jnp.min(jnp.where(key <= m, iot, jnp.int32(NCODES)), axis=1)
    idx_ref[0, 0, :] = idx


def _argmin(flat, cbt, aa, bb):
    return pl.pallas_call(
        _argmin_body,
        grid=(N_BLK,),
        in_specs=[
            pl.BlockSpec((TOK_BLK, CB_DIM), lambda i: (i, 0)),
            pl.BlockSpec((CB_DIM, NCODES), lambda i: (0, 0)),
            pl.BlockSpec((TOK_BLK, 1), lambda i: (i, 0)),
            pl.BlockSpec((1, NCODES), lambda i: (0, 0)),
        ],
        out_specs=pl.BlockSpec((1, 1, TOK_BLK), lambda i: (i, 0, 0)),
        out_shape=jax.ShapeDtypeStruct((N_BLK, 1, TOK_BLK), jnp.int32),
    )(flat, cbt, aa, bb)


_MESH = plsc.VectorSubcoreMesh(core_axis_name="c", subcore_axis_name="s")


@functools.partial(
    pl.kernel,
    mesh=_MESH,
    compiler_params=pltpu.CompilerParams(needs_layout_passes=False),
    out_type=jax.ShapeDtypeStruct((NC, ACC_W), jnp.float32),
    scratch_types=[
        pltpu.VMEM((TPT * CB_DIM,), jnp.float32),
        pltpu.VMEM((TPT,), jnp.int32),
        pltpu.VMEM((ACC_W,), jnp.float32),
        pltpu.VMEM((STRIPE,), jnp.float32),
        pltpu.VMEM((STRIPE,), jnp.float32),
        pltpu.VMEM_SHARED((NS, ACC_W), jnp.float32),
    ],
)
def _scatter_kernel(flat_hbm, idx_hbm, out_hbm,
                    flat_v, idx_v, acc_v, red_v, tmp_v, shared):
    c = lax.axis_index("c")
    sid = lax.axis_index("s")
    wid = c * NS + sid
    base_t = wid * TPT

    pltpu.sync_copy(flat_hbm.at[pl.ds(base_t * CB_DIM, TPT * CB_DIM)], flat_v)
    pltpu.sync_copy(idx_hbm.at[pl.ds(base_t, TPT)], idx_v)

    def zero_body(m, carry):
        acc_v[pl.ds(m * L, L)] = jnp.zeros((L,), jnp.float32)
        return carry
    lax.fori_loop(0, ACC_W // L, zero_body, 0)

    iot = lax.iota(jnp.int32, L)
    ones = jnp.ones((L,), jnp.float32)

    def grp_body(g, carry):
        idx16 = idx_v[pl.ds(g * L, L)]
        a5 = idx16 * 5
        for dd in range(CB_DIM):
            vals = plsc.load_gather(flat_v, [g * (L * CB_DIM) + iot * CB_DIM + dd])
            plsc.addupdate_scatter(acc_v, [a5 + dd], vals)
        plsc.addupdate_scatter(acc_v, [a5 + 4], ones)
        return carry
    lax.fori_loop(0, TPT // L, grp_body, 0)

    pltpu.sync_copy(acc_v, shared.at[sid])
    plsc.subcore_barrier()
    pltpu.sync_copy(shared.at[0, pl.ds(sid * STRIPE, STRIPE)], red_v)

    def red_body(t, carry):
        pltpu.sync_copy(shared.at[t, pl.ds(sid * STRIPE, STRIPE)], tmp_v)

        def add_body(m, carry2):
            red_v[pl.ds(m * L, L)] = red_v[pl.ds(m * L, L)] + tmp_v[pl.ds(m * L, L)]
            return carry2
        lax.fori_loop(0, STRIPE // L, add_body, 0)
        return carry
    lax.fori_loop(1, NS, red_body, 0)

    pltpu.sync_copy(red_v, out_hbm.at[c, pl.ds(sid * STRIPE, STRIPE)])


@functools.partial(
    pl.kernel,
    mesh=_MESH,
    compiler_params=pltpu.CompilerParams(needs_layout_passes=False),
    out_type=jax.ShapeDtypeStruct((NTOK * CB_DIM,), jnp.float32),
    scratch_types=[
        pltpu.VMEM((STRIPE,), jnp.float32),
        pltpu.VMEM((STRIPE,), jnp.float32),
        pltpu.VMEM((TSTRIPE,), jnp.float32),
        pltpu.VMEM((NCODES * CB_DIM,), jnp.float32),
        pltpu.VMEM((TPT,), jnp.int32),
        pltpu.VMEM((TPT * CB_DIM,), jnp.float32),
        pltpu.VMEM((TPT * CB_DIM,), jnp.float32),
        pltpu.VMEM_SHARED((NCODES * CB_DIM,), jnp.float32),
    ],
)
def _gather_kernel(part_hbm, idx_hbm, sel_hbm, out_hbm,
                   p0_v, p1_v, stripe_v, table_v, idx_v, sel_v, out_v, shared_t):
    c = lax.axis_index("c")
    sid = lax.axis_index("s")
    wid = c * NS + sid
    base_t = wid * TPT

    pltpu.sync_copy(part_hbm.at[pl.ds(sid * STRIPE, STRIPE)], p0_v)
    pltpu.sync_copy(part_hbm.at[pl.ds(ACC_W + sid * STRIPE, STRIPE)], p1_v)

    iot = lax.iota(jnp.int32, L)

    def tb_body(m, carry):
        j = m * L + iot
        kl = lax.shift_right_logical(j, 2)
        dd = j & 3
        a = kl * 5 + dd
        ca = kl * 5 + 4
        num = plsc.load_gather(p0_v, [a]) + plsc.load_gather(p1_v, [a])
        cnt = plsc.load_gather(p0_v, [ca]) + plsc.load_gather(p1_v, [ca])
        cnt = jnp.maximum(cnt, 1.0)
        stripe_v[pl.ds(m * L, L)] = num / cnt
        return carry
    lax.fori_loop(0, TSTRIPE // L, tb_body, 0)

    pltpu.sync_copy(stripe_v, shared_t.at[pl.ds(sid * TSTRIPE, TSTRIPE)])
    plsc.subcore_barrier()
    pltpu.sync_copy(shared_t, table_v)

    pltpu.sync_copy(idx_hbm.at[pl.ds(base_t, TPT)], idx_v)
    pltpu.sync_copy(sel_hbm.at[pl.ds(base_t * CB_DIM, TPT * CB_DIM)], sel_v)

    def g_body(m, carry):
        e = m * L + iot
        tl = lax.shift_right_logical(e, 2)
        dd = e & 3
        idx16 = plsc.load_gather(idx_v, [tl])
        vals = plsc.load_gather(table_v, [idx16 * CB_DIM + dd])
        out_v[pl.ds(m * L, L)] = vals * sel_v[pl.ds(m * L, L)]
        return carry
    lax.fori_loop(0, (TPT * CB_DIM) // L, g_body, 0)

    pltpu.sync_copy(out_v, out_hbm.at[pl.ds(base_t * CB_DIM, TPT * CB_DIM)])


def kernel(x, codebook):
    s = jnp.mean(jnp.abs(x), axis=1, keepdims=True)
    inputs = x / s
    flat2d = inputs.reshape(NTOK, CB_DIM)
    aa = jnp.sum(flat2d * flat2d, axis=1, keepdims=True)
    bb = jnp.sum(codebook * codebook, axis=1)[None, :]
    sq = jnp.maximum(aa + bb - 2.0 * (flat2d @ codebook.T), 0.0)
    idx = jnp.argmin(jnp.sqrt(sq), axis=1).astype(jnp.int32)
    part = _scatter_kernel(flat2d.reshape(NTOK * CB_DIM), idx)
    selem = jnp.broadcast_to(s, (BATCH, FEATS)).reshape(NTOK * CB_DIM)
    q = _gather_kernel(part.reshape(NC * ACC_W), idx, selem)
    return q.reshape(BATCH, FEATS)

# --- scband reference (transcript-rebuilt; emitter-appended) ---
"""Pipeline reference for scband-code-book-quantizer-86689619903464 (READ-ONLY COPY).

The authoritative reference and input builder live on the scoring server;
editing this copy changes nothing except your own understanding.
"""

import jax, jax.numpy as jnp
import numpy as np

N_BITS = 3
CODEBOOK_DIM = 4
FEATURES = 512
BATCH = 128
N_CODES = 2 ** (N_BITS * CODEBOOK_DIM)  # 4096


def setup_inputs(seed: int = 0) -> dict:
    key = jax.random.key(seed)
    kx, kc = jax.random.split(key)
    x = jax.random.normal(kx, (BATCH, FEATURES), dtype=jnp.float32)
    codebook = jax.random.normal(kc, (N_CODES, CODEBOOK_DIM), dtype=jnp.float32)
    return {"x": x, "codebook": codebook}


def _cdist(a, b):
    # Euclidean pairwise distances, matching torch.cdist(p=2)
    aa = jnp.sum(a * a, axis=1, keepdims=True)
    bb = jnp.sum(b * b, axis=1)[None, :]
    sq = jnp.maximum(aa + bb - 2.0 * (a @ b.T), 0.0)
    return jnp.sqrt(sq)


def reference(x, codebook):
    # scaling_factor = mean(|x|, dim=1, keepdim=True) (detached)
    s = jnp.mean(jnp.abs(x), axis=1, keepdims=True)
    inputs = x / s
    flat = inputs.reshape(-1, codebook.shape[1])
    d = _cdist(flat, codebook)
    idx = jnp.argmin(d, axis=1)
    # dynamic k-means style codebook update (in-place in torch; functional here)
    sums = jnp.zeros_like(codebook).at[idx].add(flat)
    counts = jnp.zeros((codebook.shape[0],), dtype=jnp.float32).at[idx].add(1.0)
    counts = jnp.clip(counts, 1.0, None)[:, None]
    new_codebook = sums / counts
    quantized = new_codebook[idx].reshape(inputs.shape)
    return s * quantized

if __name__ == "__main__":
    import jax
    _d = setup_inputs()
    print(jax.jit(kernel)(*tuple(_d.values())))

</pallas_src>

<mosaic_0001>
#map = affine_map<(d0, d1) -> (0)>
#map1 = affine_map<(d0, d1) -> (0, 0)>
module attributes {stable_mosaic.version = 14 : i64} {
  func.func @_scatter_kernel(%arg0: i32, %arg1: i32, %arg2: memref<65536xf32, #tpu.memory_space<hbm>>, %arg3: memref<16384xi32, #tpu.memory_space<hbm>>, %arg4: memref<2x20480xf32, #tpu.memory_space<hbm>>, %arg5: memref<2048xf32, #tpu.memory_space<vmem>>, %arg6: memref<512xi32, #tpu.memory_space<vmem>>, %arg7: memref<20480xf32, #tpu.memory_space<vmem>>, %arg8: memref<1280xf32, #tpu.memory_space<vmem>>, %arg9: memref<1280xf32, #tpu.memory_space<vmem>>, %arg10: memref<16x20480xf32, #tpu.memory_space<vmem_shared>>) attributes {dimension_semantics = [#tpu.dimension_semantics<core_parallel>, #tpu.dimension_semantics<subcore_parallel>], iteration_bounds = array<i64: 2, 16>, scalar_prefetch = 0 : i64, scratch_operands = 6 : i64, tpu.core_type = #tpu.core_type<sc_vector_subcore>, window_params = [{transform_indices = #map}, {transform_indices = #map}, {transform_indices = #map1}]} {
    %mul3A = arith.constant 16 : i32
    %mul3A_0 = arith.muli %arg0, %mul3A : i32
    %add3A = arith.addi %mul3A_0, %arg1 : i32
    %mul3A_1 = arith.constant 512 : i32
    %mul3A_2 = arith.muli %add3A, %mul3A_1 : i32
    %mul3A_3 = arith.constant 4 : i32
    %mul3A_4 = arith.muli %mul3A_2, %mul3A_3 : i32
    "tpu.region"() ({
      %run_scoped3A_27 = tpu.sem_alloc : memref<!tpu.dma_semaphore, #tpu.memory_space<semaphore_mem>>
      %dma_start3A = tpu.memref_slice %arg2[%mul3A_4] : memref<65536xf32, #tpu.memory_space<hbm>> -> memref<2048xf32, #tpu.memory_space<hbm>>
      %dma_start3A_28 = tpu.memref_slice %arg2[%mul3A_4] : memref<65536xf32, #tpu.memory_space<hbm>> -> memref<2048xf32, #tpu.memory_space<hbm>>
      tpu.enqueue_dma source(%dma_start3A_28 : memref<2048xf32, #tpu.memory_space<hbm>>) target(%arg5 : memref<2048xf32, #tpu.memory_space<vmem>>) target_semaphore(%run_scoped3A_27 : memref<!tpu.dma_semaphore, #tpu.memory_space<semaphore_mem>>)
      %dma_wait3A = tpu.memref_slice %arg2[%mul3A_4] : memref<65536xf32, #tpu.memory_space<hbm>> -> memref<2048xf32, #tpu.memory_space<hbm>>
      %dma_wait3A_29 = tpu.memref_slice %arg2[%mul3A_4] : memref<65536xf32, #tpu.memory_space<hbm>> -> memref<2048xf32, #tpu.memory_space<hbm>>
      tpu.wait_dma2 semaphore(%run_scoped3A_27 : memref<!tpu.dma_semaphore, #tpu.memory_space<semaphore_mem>>) src(%dma_wait3A_29 : memref<2048xf32, #tpu.memory_space<hbm>>) dst(%arg5 : memref<2048xf32, #tpu.memory_space<vmem>>)
      tpu.yield
    }) : () -> ()
    "tpu.region"() ({
      %run_scoped3A_27 = tpu.sem_alloc : memref<!tpu.dma_semaphore, #tpu.memory_space<semaphore_mem>>
      %dma_start3A = tpu.memref_slice %arg3[%mul3A_2] : memref<16384xi32, #tpu.memory_space<hbm>> -> memref<512xi32, #tpu.memory_space<hbm>>
      %dma_start3A_28 = tpu.memref_slice %arg3[%mul3A_2] : memref<16384xi32, #tpu.memory_space<hbm>> -> memref<512xi32, #tpu.memory_space<hbm>>
      tpu.enqueue_dma source(%dma_start3A_28 : memref<512xi32, #tpu.memory_space<hbm>>) target(%arg6 : memref<512xi32, #tpu.memory_space<vmem>>) target_semaphore(%run_scoped3A_27 : memref<!tpu.dma_semaphore, #tpu.memory_space<semaphore_mem>>)
      %dma_wait3A = tpu.memref_slice %arg3[%mul3A_2] : memref<16384xi32, #tpu.memory_space<hbm>> -> memref<512xi32, #tpu.memory_space<hbm>>
      %dma_wait3A_29 = tpu.memref_slice %arg3[%mul3A_2] : memref<16384xi32, #tpu.memory_space<hbm>> -> memref<512xi32, #tpu.memory_space<hbm>>
      tpu.wait_dma2 semaphore(%run_scoped3A_27 : memref<!tpu.dma_semaphore, #tpu.memory_space<semaphore_mem>>) src(%dma_wait3A_29 : memref<512xi32, #tpu.memory_space<hbm>>) dst(%arg6 : memref<512xi32, #tpu.memory_space<vmem>>)
      tpu.yield
    }) : () -> ()
    %scan3A = arith.constant 0 : i32
    %scan3A_5 = arith.constant 0 : i32
    %scan3A_6 = arith.constant 1280 : i32
    %scan3A_7 = arith.addi %scan3A_5, %scan3A_6 : i32
    %scan3A_8 = arith.constant 1 : i32
    scf.for %scan3A_27 = %scan3A_5 to %scan3A_7 step %scan3A_8  : i32 {
      %broadcast_in_dim3A_28 = arith.constant 0.000000e+00 : f32
      %broadcast_in_dim3A_29 = vector.broadcast %broadcast_in_dim3A_28 : f32 to vector<16xf32>
      %mul3A_30 = arith.constant 16 : i32
      %mul3A_31 = arith.muli %scan3A_27, %mul3A_30 : i32
      %swap3A = arith.index_cast %mul3A_31 : i32 to index
      %swap3A_32 = tpu.vector_load %arg7[%swap3A] {strides = array<i32>} : memref<20480xf32, #tpu.memory_space<vmem>>, vector<16xf32>,
      tpu.vector_store %arg7[%swap3A], %broadcast_in_dim3A_29 {strides = array<i32>} : memref<20480xf32, #tpu.memory_space<vmem>>, vector<16xf32>,
    }
    %scan3A_9 = arith.constant 1280 : i32
    %iota3A = tpu.iota {dimensions = array<i32: 0>} : vector<16xi32>
    %broadcast_in_dim3A = arith.constant 1.000000e+00 : f32
    %broadcast_in_dim3A_10 = vector.broadcast %broadcast_in_dim3A : f32 to vector<16xf32>
    %scan3A_11 = arith.constant 0 : i32
    %scan3A_12 = arith.constant 0 : i32
    %scan3A_13 = arith.constant 32 : i32
    %scan3A_14 = arith.addi %scan3A_12, %scan3A_13 : i32
    %scan3A_15 = arith.constant 1 : i32
    scf.for %scan3A_27 = %scan3A_12 to %scan3A_14 step %scan3A_15  : i32 {
      %mul3A_28 = arith.constant 16 : i32
      %mul3A_29 = arith.muli %scan3A_27, %mul3A_28 : i32
      %get3A = arith.index_cast %mul3A_29 : i32 to index
      %get3A_30 = tpu.vector_load %arg6[%get3A] {strides = array<i32>} : memref<512xi32, #tpu.memory_space<vmem>>, vector<16xi32>,
      %mul3A_31 = arith.constant 5 : i32
      %mul3A_32 = vector.broadcast %mul3A_31 : i32 to vector<16xi32>
      %mul3A_33 = arith.muli %get3A_30, %mul3A_32 : vector<16xi32>
      %mul3A_34 = arith.constant 64 : i32
      %mul3A_35 = arith.muli %scan3A_27, %mul3A_34 : i32
      %mul3A_36 = arith.constant 4 : i32
      %mul3A_37 = vector.broadcast %mul3A_36 : i32 to vector<16xi32>
      %mul3A_38 = arith.muli %iota3A, %mul3A_37 : vector<16xi32>
      %add3A_39 = vector.broadcast %mul3A_35 : i32 to vector<16xi32>
      %add3A_40 = arith.addi %add3A_39, %mul3A_38 : vector<16xi32>
      %add3A_41 = arith.constant 0 : i32
      %add3A_42 = vector.broadcast %add3A_41 : i32 to vector<16xi32>
      %add3A_43 = arith.addi %add3A_40, %add3A_42 : vector<16xi32>
      %gather3A = tpu.vector_load_idx %arg5[%add3A_43] : memref<2048xf32, #tpu.memory_space<vmem>>[vector<16xi32>], vector<16xf32>,
      %add3A_44 = arith.constant 0 : i32
      %add3A_45 = vector.broadcast %add3A_44 : i32 to vector<16xi32>
      %add3A_46 = arith.addi %mul3A_33, %add3A_45 : vector<16xi32>
      tpu.vector_store_idx %arg7[%add3A_46], %gather3A {add = true} : memref<20480xf32, #tpu.memory_space<vmem>>[vector<16xi32>], vector<16xf32>,
      %mul3A_47 = arith.constant 64 : i32
      %mul3A_48 = arith.muli %scan3A_27, %mul3A_47 : i32
      %mul3A_49 = arith.constant 4 : i32
      %mul3A_50 = vector.broadcast %mul3A_49 : i32 to vector<16xi32>
      %mul3A_51 = arith.muli %iota3A, %mul3A_50 : vector<16xi32>
      %add3A_52 = vector.broadcast %mul3A_48 : i32 to vector<16xi32>
      %add3A_53 = arith.addi %add3A_52, %mul3A_51 : vector<16xi32>
      %add3A_54 = arith.constant 1 : i32
      %add3A_55 = vector.broadcast %add3A_54 : i32 to vector<16xi32>
      %add3A_56 = arith.addi %add3A_53, %add3A_55 : vector<16xi32>
      %gather3A_57 = tpu.vector_load_idx %arg5[%add3A_56] : memref<2048xf32, #tpu.memory_space<vmem>>[vector<16xi32>], vector<16xf32>,
      %add3A_58 = arith.constant 1 : i32
      %add3A_59 = vector.broadcast %add3A_58 : i32 to vector<16xi32>
      %add3A_60 = arith.addi %mul3A_33, %add3A_59 : vector<16xi32>
      tpu.vector_store_idx %arg7[%add3A_60], %gather3A_57 {add = true} : memref<20480xf32, #tpu.memory_space<vmem>>[vector<16xi32>], vector<16xf32>,
      %mul3A_61 = arith.constant 64 : i32
      %mul3A_62 = arith.muli %scan3A_27, %mul3A_61 : i32
      %mul3A_63 = arith.constant 4 : i32
      %mul3A_64 = vector.broadcast %mul3A_63 : i32 to vector<16xi32>
      %mul3A_65 = arith.muli %iota3A, %mul3A_64 : vector<16xi32>
      %add3A_66 = vector.broadcast %mul3A_62 : i32 to vector<16xi32>
      %add3A_67 = arith.addi %add3A_66, %mul3A_65 : vector<16xi32>
      %add3A_68 = arith.constant 2 : i32
      %add3A_69 = vector.broadcast %add3A_68 : i32 to vector<16xi32>
      %add3A_70 = arith.addi %add3A_67, %add3A_69 : vector<16xi32>
      %gather3A_71 = tpu.vector_load_idx %arg5[%add3A_70] : memref<2048xf32, #tpu.memory_space<vmem>>[vector<16xi32>], vector<16xf32>,
      %add3A_72 = arith.constant 2 : i32
      %add3A_73 = vector.broadcast %add3A_72 : i32 to vector<16xi32>
      %add3A_74 = arith.addi %mul3A_33, %add3A_73 : vector<16xi32>
      tpu.vector_store_idx %arg7[%add3A_74], %gather3A_71 {add = true} : memref<20480xf32, #tpu.memory_space<vmem>>[vector<16xi32>], vector<16xf32>,
      %mul3A_75 = arith.constant 64 : i32
      %mul3A_76 = arith.muli %scan3A_27, %mul3A_75 : i32
      %mul3A_77 = arith.constant 4 : i32
      %mul3A_78 = vector.broadcast %mul3A_77 : i32 to vector<16xi32>
      %mul3A_79 = arith.muli %iota3A, %mul3A_78 : vector<16xi32>
      %add3A_80 = vector.broadcast %mul3A_76 : i32 to vector<16xi32>
      %add3A_81 = arith.addi %add3A_80, %mul3A_79 : vector<16xi32>
      %add3A_82 = arith.constant 3 : i32
      %add3A_83 = vector.broadcast %add3A_82 : i32 to vector<16xi32>
      %add3A_84 = arith.addi %add3A_81, %add3A_83 : vector<16xi32>
      %gather3A_85 = tpu.vector_load_idx %arg5[%add3A_84] : memref<2048xf32, #tpu.memory_space<vmem>>[vector<16xi32>], vector<16xf32>,
      %add3A_86 = arith.constant 3 : i32
      %add3A_87 = vector.broadcast %add3A_86 : i32 to vector<16xi32>
      %add3A_88 = arith.addi %mul3A_33, %add3A_87 : vector<16xi32>
      tpu.vector_store_idx %arg7[%add3A_88], %gather3A_85 {add = true} : memref<20480xf32, #tpu.memory_space<vmem>>[vector<16xi32>], vector<16xf32>,
      %add3A_89 = arith.constant 4 : i32
      %add3A_90 = vector.broadcast %add3A_89 : i32 to vector<16xi32>
      %add3A_91 = arith.addi %mul3A_33, %add3A_90 : vector<16xi32>
      tpu.vector_store_idx %arg7[%add3A_91], %broadcast_in_dim3A_10 {add = true} : memref<20480xf32, #tpu.memory_space<vmem>>[vector<16xi32>], vector<16xf32>,
    }
    %scan3A_16 = arith.constant 32 : i32
    "tpu.region"() ({
      %run_scoped3A_27 = tpu.sem_alloc : memref<!tpu.dma_semaphore, #tpu.memory_space<semaphore_mem>>
      %dma_start3A = arith.constant 0 : i32
      %dma_start3A_28 = tpu.memref_slice %arg10[%arg1, %dma_start3A] : memref<16x20480xf32, #tpu.memory_space<vmem_shared>> -> memref<1x20480xf32, #tpu.memory_space<vmem_shared>>
      %dma_start3A_29 = tpu.memref_squeeze %dma_start3A_28 : memref<1x20480xf32, #tpu.memory_space<vmem_shared>> -> memref<20480xf32, #tpu.memory_space<vmem_shared>>
      %dma_start3A_30 = arith.constant 0 : i32
      %dma_start3A_31 = tpu.memref_slice %arg10[%arg1, %dma_start3A_30] : memref<16x20480xf32, #tpu.memory_space<vmem_shared>> -> memref<1x20480xf32, #tpu.memory_space<vmem_shared>>
      %dma_start3A_32 = tpu.memref_squeeze %dma_start3A_31 : memref<1x20480xf32, #tpu.memory_space<vmem_shared>> -> memref<20480xf32, #tpu.memory_space<vmem_shared>>
      tpu.enqueue_dma source(%arg7 : memref<20480xf32, #tpu.memory_space<vmem>>) target(%dma_start3A_32 : memref<20480xf32, #tpu.memory_space<vmem_shared>>) target_semaphore(%run_scoped3A_27 : memref<!tpu.dma_semaphore, #tpu.memory_space<semaphore_mem>>)
      %dma_wait3A = arith.constant 0 : i32
      %dma_wait3A_33 = tpu.memref_slice %arg10[%arg1, %dma_wait3A] : memref<16x20480xf32, #tpu.memory_space<vmem_shared>> -> memref<1x20480xf32, #tpu.memory_space<vmem_shared>>
      %dma_wait3A_34 = tpu.memref_squeeze %dma_wait3A_33 : memref<1x20480xf32, #tpu.memory_space<vmem_shared>> -> memref<20480xf32, #tpu.memory_space<vmem_shared>>
      %dma_wait3A_35 = arith.constant 0 : i32
      %dma_wait3A_36 = tpu.memref_slice %arg10[%arg1, %dma_wait3A_35] : memref<16x20480xf32, #tpu.memory_space<vmem_shared>> -> memref<1x20480xf32, #tpu.memory_space<vmem_shared>>
      %dma_wait3A_37 = tpu.memref_squeeze %dma_wait3A_36 : memref<1x20480xf32, #tpu.memory_space<vmem_shared>> -> memref<20480xf32, #tpu.memory_space<vmem_shared>>
      tpu.wait_dma2 semaphore(%run_scoped3A_27 : memref<!tpu.dma_semaphore, #tpu.memory_space<semaphore_mem>>) src(%arg7 : memref<20480xf32, #tpu.memory_space<vmem>>) dst(%dma_wait3A_37 : memref<20480xf32, #tpu.memory_space<vmem_shared>>)
      tpu.yield
    }) : () -> ()
    %barrier3A = arith.constant 0 : index
    tpu.barrier barrier_id(%barrier3A)
    %mul3A_17 = arith.constant 1280 : i32
    %mul3A_18 = arith.muli %arg1, %mul3A_17 : i32
    %run_scoped3A = arith.constant 0 : i32
    "tpu.region"() ({
      %run_scoped3A_27 = tpu.sem_alloc : memref<!tpu.dma_semaphore, #tpu.memory_space<semaphore_mem>>
      %dma_start3A = tpu.memref_slice %arg10[%run_scoped3A, %mul3A_18] : memref<16x20480xf32, #tpu.memory_space<vmem_shared>> -> memref<1x1280xf32, #tpu.memory_space<vmem_shared>>
      %dma_start3A_28 = tpu.memref_squeeze %dma_start3A : memref<1x1280xf32, #tpu.memory_space<vmem_shared>> -> memref<1280xf32, #tpu.memory_space<vmem_shared>>
      %dma_start3A_29 = tpu.memref_slice %arg10[%run_scoped3A, %mul3A_18] : memref<16x20480xf32, #tpu.memory_space<vmem_shared>> -> memref<1x1280xf32, #tpu.memory_space<vmem_shared>>
      %dma_start3A_30 = tpu.memref_squeeze %dma_start3A_29 : memref<1x1280xf32, #tpu.memory_space<vmem_shared>> -> memref<1280xf32, #tpu.memory_space<vmem_shared>>
      tpu.enqueue_dma source(%dma_start3A_30 : memref<1280xf32, #tpu.memory_space<vmem_shared>>) target(%arg8 : memref<1280xf32, #tpu.memory_space<vmem>>) target_semaphore(%run_scoped3A_27 : memref<!tpu.dma_semaphore, #tpu.memory_space<semaphore_mem>>)
      %dma_wait3A = tpu.memref_slice %arg10[%run_scoped3A, %mul3A_18] : memref<16x20480xf32, #tpu.memory_space<vmem_shared>> -> memref<1x1280xf32, #tpu.memory_space<vmem_shared>>
      %dma_wait3A_31 = tpu.memref_squeeze %dma_wait3A : memref<1x1280xf32, #tpu.memory_space<vmem_shared>> -> memref<1280xf32, #tpu.memory_space<vmem_shared>>
      %dma_wait3A_32 = tpu.memref_slice %arg10[%run_scoped3A, %mul3A_18] : memref<16x20480xf32, #tpu.memory_space<vmem_shared>> -> memref<1x1280xf32, #tpu.memory_space<vmem_shared>>
      %dma_wait3A_33 = tpu.memref_squeeze %dma_wait3A_32 : memref<1x1280xf32, #tpu.memory_space<vmem_shared>> -> memref<1280xf32, #tpu.memory_space<vmem_shared>>
      tpu.wait_dma2 semaphore(%run_scoped3A_27 : memref<!tpu.dma_semaphore, #tpu.memory_space<semaphore_mem>>) src(%dma_wait3A_33 : memref<1280xf32, #tpu.memory_space<vmem_shared>>) dst(%arg8 : memref<1280xf32, #tpu.memory_space<vmem>>)
      tpu.yield
    }) : () -> ()
    %scan3A_19 = arith.constant 0 : i32
    %scan3A_20 = arith.constant 1 : i32
    %scan3A_21 = arith.constant 15 : i32
    %scan3A_22 = arith.addi %scan3A_20, %scan3A_21 : i32
    %scan3A_23 = arith.constant 1 : i32
    scf.for %scan3A_27 = %scan3A_20 to %scan3A_22 step %scan3A_23  : i32 {
      %mul3A_28 = arith.constant 1280 : i32
      %mul3A_29 = arith.muli %arg1, %mul3A_28 : i32
      "tpu.region"() ({
        %run_scoped3A_36 = tpu.sem_alloc : memref<!tpu.dma_semaphore, #tpu.memory_space<semaphore_mem>>
        %dma_start3A = tpu.memref_slice %arg10[%scan3A_27, %mul3A_29] : memref<16x20480xf32, #tpu.memory_space<vmem_shared>> -> memref<1x1280xf32, #tpu.memory_space<vmem_shared>>
        %dma_start3A_37 = tpu.memref_squeeze %dma_start3A : memref<1x1280xf32, #tpu.memory_space<vmem_shared>> -> memref<1280xf32, #tpu.memory_space<vmem_shared>>
        %dma_start3A_38 = tpu.memref_slice %arg10[%scan3A_27, %mul3A_29] : memref<16x20480xf32, #tpu.memory_space<vmem_shared>> -> memref<1x1280xf32, #tpu.memory_space<vmem_shared>>
        %dma_start3A_39 = tpu.memref_squeeze %dma_start3A_38 : memref<1x1280xf32, #tpu.memory_space<vmem_shared>> -> memref<1280xf32, #tpu.memory_space<vmem_shared>>
        tpu.enqueue_dma source(%dma_start3A_39 : memref<1280xf32, #tpu.memory_space<vmem_shared>>) target(%arg9 : memref<1280xf32, #tpu.memory_space<vmem>>) target_semaphore(%run_scoped3A_36 : memref<!tpu.dma_semaphore, #tpu.memory_space<semaphore_mem>>)
        %dma_wait3A = tpu.memref_slice %arg10[%scan3A_27, %mul3A_29] : memref<16x20480xf32, #tpu.memory_space<vmem_shared>> -> memref<1x1280xf32, #tpu.memory_space<vmem_shared>>
        %dma_wait3A_40 = tpu.memref_squeeze %dma_wait3A : memref<1x1280xf32, #tpu.memory_space<vmem_shared>> -> memref<1280xf32, #tpu.memory_space<vmem_shared>>
        %dma_wait3A_41 = tpu.memref_slice %arg10[%scan3A_27, %mul3A_29] : memref<16x20480xf32, #tpu.memory_space<vmem_shared>> -> memref<1x1280xf32, #tpu.memory_space<vmem_shared>>
        %dma_wait3A_42 = tpu.memref_squeeze %dma_wait3A_41 : memref<1x1280xf32, #tpu.memory_space<vmem_shared>> -> memref<1280xf32, #tpu.memory_space<vmem_shared>>
        tpu.wait_dma2 semaphore(%run_scoped3A_36 : memref<!tpu.dma_semaphore, #tpu.memory_space<semaphore_mem>>) src(%dma_wait3A_42 : memref<1280xf32, #tpu.memory_space<vmem_shared>>) dst(%arg9 : memref<1280xf32, #tpu.memory_space<vmem>>)
        tpu.yield
      }) : () -> ()
      %scan3A_30 = arith.constant 0 : i32
      %scan3A_31 = arith.constant 0 : i32
      %scan3A_32 = arith.constant 80 : i32
      %scan3A_33 = arith.addi %scan3A_31, %scan3A_32 : i32
      %scan3A_34 = arith.constant 1 : i32
      scf.for %scan3A_36 = %scan3A_31 to %scan3A_33 step %scan3A_34  : i32 {
        %mul3A_37 = arith.constant 16 : i32
        %mul3A_38 = arith.muli %scan3A_36, %mul3A_37 : i32
        %get3A = arith.index_cast %mul3A_38 : i32 to index
        %get3A_39 = tpu.vector_load %arg8[%get3A] {strides = array<i32>} : memref<1280xf32, #tpu.memory_space<vmem>>, vector<16xf32>,
        %mul3A_40 = arith.constant 16 : i32
        %mul3A_41 = arith.muli %scan3A_36, %mul3A_40 : i32
        %get3A_42 = arith.index_cast %mul3A_41 : i32 to index
        %get3A_43 = tpu.vector_load %arg9[%get3A_42] {strides = array<i32>} : memref<1280xf32, #tpu.memory_space<vmem>>, vector<16xf32>,
        %add3A_44 = arith.addf %get3A_39, %get3A_43 : vector<16xf32>
        %mul3A_45 = arith.constant 16 : i32
        %mul3A_46 = arith.muli %scan3A_36, %mul3A_45 : i32
        %swap3A = arith.index_cast %mul3A_46 : i32 to index
        %swap3A_47 = tpu.vector_load %arg8[%swap3A] {strides = array<i32>} : memref<1280xf32, #tpu.memory_space<vmem>>, vector<16xf32>,
        tpu.vector_store %arg8[%swap3A], %add3A_44 {strides = array<i32>} : memref<1280xf32, #tpu.memory_space<vmem>>, vector<16xf32>,
      }
      %scan3A_35 = arith.constant 80 : i32
    }
    %scan3A_24 = arith.constant 15 : i32
    %mul3A_25 = arith.constant 1280 : i32
    %mul3A_26 = arith.muli %arg1, %mul3A_25 : i32
    "tpu.region"() ({
      %run_scoped3A_27 = tpu.sem_alloc : memref<!tpu.dma_semaphore, #tpu.memory_space<semaphore_mem>>
      %dma_start3A = tpu.memref_slice %arg4[%arg0, %mul3A_26] : memref<2x20480xf32, #tpu.memory_space<hbm>> -> memref<1x1280xf32, #tpu.memory_space<hbm>>
      %dma_start3A_28 = tpu.memref_squeeze %dma_start3A : memref<1x1280xf32, #tpu.memory_space<hbm>> -> memref<1280xf32, #tpu.memory_space<hbm>>
      %dma_start3A_29 = tpu.memref_slice %arg4[%arg0, %mul3A_26] : memref<2x20480xf32, #tpu.memory_space<hbm>> -> memref<1x1280xf32, #tpu.memory_space<hbm>>
      %dma_start3A_30 = tpu.memref_squeeze %dma_start3A_29 : memref<1x1280xf32, #tpu.memory_space<hbm>> -> memref<1280xf32, #tpu.memory_space<hbm>>
      tpu.enqueue_dma source(%arg8 : memref<1280xf32, #tpu.memory_space<vmem>>) target(%dma_start3A_30 : memref<1280xf32, #tpu.memory_space<hbm>>) target_semaphore(%run_scoped3A_27 : memref<!tpu.dma_semaphore, #tpu.memory_space<semaphore_mem>>)
      %dma_wait3A = tpu.memref_slice %arg4[%arg0, %mul3A_26] : memref<2x20480xf32, #tpu.memory_space<hbm>> -> memref<1x1280xf32, #tpu.memory_space<hbm>>
      %dma_wait3A_31 = tpu.memref_squeeze %dma_wait3A : memref<1x1280xf32, #tpu.memory_space<hbm>> -> memref<1280xf32, #tpu.memory_space<hbm>>
      %dma_wait3A_32 = tpu.memref_slice %arg4[%arg0, %mul3A_26] : memref<2x20480xf32, #tpu.memory_space<hbm>> -> memref<1x1280xf32, #tpu.memory_space<hbm>>
      %dma_wait3A_33 = tpu.memref_squeeze %dma_wait3A_32 : memref<1x1280xf32, #tpu.memory_space<hbm>> -> memref<1280xf32, #tpu.memory_space<hbm>>
      tpu.wait_dma2 semaphore(%run_scoped3A_27 : memref<!tpu.dma_semaphore, #tpu.memory_space<semaphore_mem>>) src(%arg8 : memref<1280xf32, #tpu.memory_space<vmem>>) dst(%dma_wait3A_33 : memref<1280xf32, #tpu.memory_space<hbm>>)
      tpu.yield
    }) : () -> ()
    return
  }
}

#map = affine_map<(d0, d1) -> (0)>
module attributes {stable_mosaic.version = 14 : i64} {
  func.func @_gather_kernel(%arg0: i32, %arg1: i32, %arg2: memref<40960xf32, #tpu.memory_space<hbm>>, %arg3: memref<16384xi32, #tpu.memory_space<hbm>>, %arg4: memref<65536xf32, #tpu.memory_space<hbm>>, %arg5: memref<65536xf32, #tpu.memory_space<hbm>>, %arg6: memref<1280xf32, #tpu.memory_space<vmem>>, %arg7: memref<1280xf32, #tpu.memory_space<vmem>>, %arg8: memref<1024xf32, #tpu.memory_space<vmem>>, %arg9: memref<16384xf32, #tpu.memory_space<vmem>>, %arg10: memref<512xi32, #tpu.memory_space<vmem>>, %arg11: memref<2048xf32, #tpu.memory_space<vmem>>, %arg12: memref<2048xf32, #tpu.memory_space<vmem>>, %arg13: memref<16384xf32, #tpu.memory_space<vmem_shared>>) attributes {dimension_semantics = [#tpu.dimension_semantics<core_parallel>, #tpu.dimension_semantics<subcore_parallel>], iteration_bounds = array<i64: 2, 16>, scalar_prefetch = 0 : i64, scratch_operands = 8 : i64, tpu.core_type = #tpu.core_type<sc_vector_subcore>, window_params = [{transform_indices = #map}, {transform_indices = #map}, {transform_indices = #map}, {transform_indices = #map}]} {
    %mul3A = arith.constant 16 : i32
    %mul3A_0 = arith.muli %arg0, %mul3A : i32
    %add3A = arith.addi %mul3A_0, %arg1 : i32
    %mul3A_1 = arith.constant 512 : i32
    %mul3A_2 = arith.muli %add3A, %mul3A_1 : i32
    %mul3A_3 = arith.constant 1280 : i32
    %mul3A_4 = arith.muli %arg1, %mul3A_3 : i32
    "tpu.region"() ({
      %run_scoped3A = tpu.sem_alloc : memref<!tpu.dma_semaphore, #tpu.memory_space<semaphore_mem>>
      %dma_start3A = tpu.memref_slice %arg2[%mul3A_4] : memref<40960xf32, #tpu.memory_space<hbm>> -> memref<1280xf32, #tpu.memory_space<hbm>>
      %dma_start3A_26 = tpu.memref_slice %arg2[%mul3A_4] : memref<40960xf32, #tpu.memory_space<hbm>> -> memref<1280xf32, #tpu.memory_space<hbm>>
      tpu.enqueue_dma source(%dma_start3A_26 : memref<1280xf32, #tpu.memory_space<hbm>>) target(%arg6 : memref<1280xf32, #tpu.memory_space<vmem>>) target_semaphore(%run_scoped3A : memref<!tpu.dma_semaphore, #tpu.memory_space<semaphore_mem>>)
      %dma_wait3A = tpu.memref_slice %arg2[%mul3A_4] : memref<40960xf32, #tpu.memory_space<hbm>> -> memref<1280xf32, #tpu.memory_space<hbm>>
      %dma_wait3A_27 = tpu.memref_slice %arg2[%mul3A_4] : memref<40960xf32, #tpu.memory_space<hbm>> -> memref<1280xf32, #tpu.memory_space<hbm>>
      tpu.wait_dma2 semaphore(%run_scoped3A : memref<!tpu.dma_semaphore, #tpu.memory_space<semaphore_mem>>) src(%dma_wait3A_27 : memref<1280xf32, #tpu.memory_space<hbm>>) dst(%arg6 : memref<1280xf32, #tpu.memory_space<vmem>>)
      tpu.yield
    }) : () -> ()
    %mul3A_5 = arith.constant 1280 : i32
    %mul3A_6 = arith.muli %arg1, %mul3A_5 : i32
    %add3A_7 = arith.constant 20480 : i32
    %add3A_8 = arith.addi %add3A_7, %mul3A_6 : i32
    "tpu.region"() ({
      %run_scoped3A = tpu.sem_alloc : memref<!tpu.dma_semaphore, #tpu.memory_space<semaphore_mem>>
      %dma_start3A = tpu.memref_slice %arg2[%add3A_8] : memref<40960xf32, #tpu.memory_space<hbm>> -> memref<1280xf32, #tpu.memory_space<hbm>>
      %dma_start3A_26 = tpu.memref_slice %arg2[%add3A_8] : memref<40960xf32, #tpu.memory_space<hbm>> -> memref<1280xf32, #tpu.memory_space<hbm>>
      tpu.enqueue_dma source(%dma_start3A_26 : memref<1280xf32, #tpu.memory_space<hbm>>) target(%arg7 : memref<1280xf32, #tpu.memory_space<vmem>>) target_semaphore(%run_scoped3A : memref<!tpu.dma_semaphore, #tpu.memory_space<semaphore_mem>>)
      %dma_wait3A = tpu.memref_slice %arg2[%add3A_8] : memref<40960xf32, #tpu.memory_space<hbm>> -> memref<1280xf32, #tpu.memory_space<hbm>>
      %dma_wait3A_27 = tpu.memref_slice %arg2[%add3A_8] : memref<40960xf32, #tpu.memory_space<hbm>> -> memref<1280xf32, #tpu.memory_space<hbm>>
      tpu.wait_dma2 semaphore(%run_scoped3A : memref<!tpu.dma_semaphore, #tpu.memory_space<semaphore_mem>>) src(%dma_wait3A_27 : memref<1280xf32, #tpu.memory_space<hbm>>) dst(%arg7 : memref<1280xf32, #tpu.memory_space<vmem>>)
      tpu.yield
    }) : () -> ()
    %iota3A = tpu.iota {dimensions = array<i32: 0>} : vector<16xi32>
    %scan3A = arith.constant 0 : i32
    %scan3A_9 = arith.constant 0 : i32
    %scan3A_10 = arith.constant 64 : i32
    %scan3A_11 = arith.addi %scan3A_9, %scan3A_10 : i32
    %scan3A_12 = arith.constant 1 : i32
    scf.for %scan3A_26 = %scan3A_9 to %scan3A_11 step %scan3A_12  : i32 {
      %mul3A_27 = arith.constant 16 : i32
      %mul3A_28 = arith.muli %scan3A_26, %mul3A_27 : i32
      %add3A_29 = vector.broadcast %mul3A_28 : i32 to vector<16xi32>
      %add3A_30 = arith.addi %add3A_29, %iota3A : vector<16xi32>
      %shift_right_logical3A = arith.constant 2 : i32
      %shift_right_logical3A_31 = vector.broadcast %shift_right_logical3A : i32 to vector<16xi32>
      %shift_right_logical3A_32 = arith.shrui %add3A_30, %shift_right_logical3A_31 : vector<16xi32>
      %and3A = arith.constant 3 : i32
      %and3A_33 = vector.broadcast %and3A : i32 to vector<16xi32>
      %and3A_34 = arith.andi %add3A_30, %and3A_33 : vector<16xi32>
      %mul3A_35 = arith.constant 5 : i32
      %mul3A_36 = vector.broadcast %mul3A_35 : i32 to vector<16xi32>
      %mul3A_37 = arith.muli %shift_right_logical3A_32, %mul3A_36 : vector<16xi32>
      %add3A_38 = arith.addi %mul3A_37, %and3A_34 : vector<16xi32>
      %mul3A_39 = arith.constant 5 : i32
      %mul3A_40 = vector.broadcast %mul3A_39 : i32 to vector<16xi32>
      %mul3A_41 = arith.muli %shift_right_logical3A_32, %mul3A_40 : vector<16xi32>
      %add3A_42 = arith.constant 4 : i32
      %add3A_43 = vector.broadcast %add3A_42 : i32 to vector<16xi32>
      %add3A_44 = arith.addi %mul3A_41, %add3A_43 : vector<16xi32>
      %gather3A = tpu.vector_load_idx %arg6[%add3A_38] : memref<1280xf32, #tpu.memory_space<vmem>>[vector<16xi32>], vector<16xf32>,
      %gather3A_45 = tpu.vector_load_idx %arg7[%add3A_38] : memref<1280xf32, #tpu.memory_space<vmem>>[vector<16xi32>], vector<16xf32>,
      %add3A_46 = arith.addf %gather3A, %gather3A_45 : vector<16xf32>
      %gather3A_47 = tpu.vector_load_idx %arg6[%add3A_44] : memref<1280xf32, #tpu.memory_space<vmem>>[vector<16xi32>], vector<16xf32>,
      %gather3A_48 = tpu.vector_load_idx %arg7[%add3A_44] : memref<1280xf32, #tpu.memory_space<vmem>>[vector<16xi32>], vector<16xf32>,
      %add3A_49 = arith.addf %gather3A_47, %gather3A_48 : vector<16xf32>
      %max3A = arith.constant 1.000000e+00 : f32
      %max3A_50 = vector.broadcast %max3A : f32 to vector<16xf32>
      %max3A_51 = arith.maximumf %add3A_49, %max3A_50 : vector<16xf32>
      %div3A = arith.divf %add3A_46, %max3A_51 : vector<16xf32>
      %mul3A_52 = arith.constant 16 : i32
      %mul3A_53 = arith.muli %scan3A_26, %mul3A_52 : i32
      %swap3A = arith.index_cast %mul3A_53 : i32 to index
      %swap3A_54 = tpu.vector_load %arg8[%swap3A] {strides = array<i32>} : memref<1024xf32, #tpu.memory_space<vmem>>, vector<16xf32>,
      tpu.vector_store %arg8[%swap3A], %div3A {strides = array<i32>} : memref<1024xf32, #tpu.memory_space<vmem>>, vector<16xf32>,
    }
    %scan3A_13 = arith.constant 64 : i32
    %mul3A_14 = arith.constant 1024 : i32
    %mul3A_15 = arith.muli %arg1, %mul3A_14 : i32
    "tpu.region"() ({
      %run_scoped3A = tpu.sem_alloc : memref<!tpu.dma_semaphore, #tpu.memory_space<semaphore_mem>>
      %dma_start3A = tpu.memref_slice %arg13[%mul3A_15] : memref<16384xf32, #tpu.memory_space<vmem_shared>> -> memref<1024xf32, #tpu.memory_space<vmem_shared>>
      %dma_start3A_26 = tpu.memref_slice %arg13[%mul3A_15] : memref<16384xf32, #tpu.memory_space<vmem_shared>> -> memref<1024xf32, #tpu.memory_space<vmem_shared>>
      tpu.enqueue_dma source(%arg8 : memref<1024xf32, #tpu.memory_space<vmem>>) target(%dma_start3A_26 : memref<1024xf32, #tpu.memory_space<vmem_shared>>) target_semaphore(%run_scoped3A : memref<!tpu.dma_semaphore, #tpu.memory_space<semaphore_mem>>)
      %dma_wait3A = tpu.memref_slice %arg13[%mul3A_15] : memref<16384xf32, #tpu.memory_space<vmem_shared>> -> memref<1024xf32, #tpu.memory_space<vmem_shared>>
      %dma_wait3A_27 = tpu.memref_slice %arg13[%mul3A_15] : memref<16384xf32, #tpu.memory_space<vmem_shared>> -> memref<1024xf32, #tpu.memory_space<vmem_shared>>
      tpu.wait_dma2 semaphore(%run_scoped3A : memref<!tpu.dma_semaphore, #tpu.memory_space<semaphore_mem>>) src(%arg8 : memref<1024xf32, #tpu.memory_space<vmem>>) dst(%dma_wait3A_27 : memref<1024xf32, #tpu.memory_space<vmem_shared>>)
      tpu.yield
    }) : () -> ()
    %barrier3A = arith.constant 0 : index
    tpu.barrier barrier_id(%barrier3A)
    "tpu.region"() ({
      %run_scoped3A = tpu.sem_alloc : memref<!tpu.dma_semaphore, #tpu.memory_space<semaphore_mem>>
      tpu.enqueue_dma source(%arg13 : memref<16384xf32, #tpu.memory_space<vmem_shared>>) target(%arg9 : memref<16384xf32, #tpu.memory_space<vmem>>) target_semaphore(%run_scoped3A : memref<!tpu.dma_semaphore, #tpu.memory_space<semaphore_mem>>)
      tpu.wait_dma2 semaphore(%run_scoped3A : memref<!tpu.dma_semaphore, #tpu.memory_space<semaphore_mem>>) src(%arg13 : memref<16384xf32, #tpu.memory_space<vmem_shared>>) dst(%arg9 : memref<16384xf32, #tpu.memory_space<vmem>>)
      tpu.yield
    }) : () -> ()
    "tpu.region"() ({
      %run_scoped3A = tpu.sem_alloc : memref<!tpu.dma_semaphore, #tpu.memory_space<semaphore_mem>>
      %dma_start3A = tpu.memref_slice %arg3[%mul3A_2] : memref<16384xi32, #tpu.memory_space<hbm>> -> memref<512xi32, #tpu.memory_space<hbm>>
      %dma_start3A_26 = tpu.memref_slice %arg3[%mul3A_2] : memref<16384xi32, #tpu.memory_space<hbm>> -> memref<512xi32, #tpu.memory_space<hbm>>
      tpu.enqueue_dma source(%dma_start3A_26 : memref<512xi32, #tpu.memory_space<hbm>>) target(%arg10 : memref<512xi32, #tpu.memory_space<vmem>>) target_semaphore(%run_scoped3A : memref<!tpu.dma_semaphore, #tpu.memory_space<semaphore_mem>>)
      %dma_wait3A = tpu.memref_slice %arg3[%mul3A_2] : memref<16384xi32, #tpu.memory_space<hbm>> -> memref<512xi32, #tpu.memory_space<hbm>>
      %dma_wait3A_27 = tpu.memref_slice %arg3[%mul3A_2] : memref<16384xi32, #tpu.memory_space<hbm>> -> memref<512xi32, #tpu.memory_space<hbm>>
      tpu.wait_dma2 semaphore(%run_scoped3A : memref<!tpu.dma_semaphore, #tpu.memory_space<semaphore_mem>>) src(%dma_wait3A_27 : memref<512xi32, #tpu.memory_space<hbm>>) dst(%arg10 : memref<512xi32, #tpu.memory_space<vmem>>)
      tpu.yield
    }) : () -> ()
    %mul3A_16 = arith.constant 4 : i32
    %mul3A_17 = arith.muli %mul3A_2, %mul3A_16 : i32
    "tpu.region"() ({
      %run_scoped3A = tpu.sem_alloc : memref<!tpu.dma_semaphore, #tpu.memory_space<semaphore_mem>>
      %dma_start3A = tpu.memref_slice %arg4[%mul3A_17] : memref<65536xf32, #tpu.memory_space<hbm>> -> memref<2048xf32, #tpu.memory_space<hbm>>
      %dma_start3A_26 = tpu.memref_slice %arg4[%mul3A_17] : memref<65536xf32, #tpu.memory_space<hbm>> -> memref<2048xf32, #tpu.memory_space<hbm>>
      tpu.enqueue_dma source(%dma_start3A_26 : memref<2048xf32, #tpu.memory_space<hbm>>) target(%arg11 : memref<2048xf32, #tpu.memory_space<vmem>>) target_semaphore(%run_scoped3A : memref<!tpu.dma_semaphore, #tpu.memory_space<semaphore_mem>>)
      %dma_wait3A = tpu.memref_slice %arg4[%mul3A_17] : memref<65536xf32, #tpu.memory_space<hbm>> -> memref<2048xf32, #tpu.memory_space<hbm>>
      %dma_wait3A_27 = tpu.memref_slice %arg4[%mul3A_17] : memref<65536xf32, #tpu.memory_space<hbm>> -> memref<2048xf32, #tpu.memory_space<hbm>>
      tpu.wait_dma2 semaphore(%run_scoped3A : memref<!tpu.dma_semaphore, #tpu.memory_space<semaphore_mem>>) src(%dma_wait3A_27 : memref<2048xf32, #tpu.memory_space<hbm>>) dst(%arg11 : memref<2048xf32, #tpu.memory_space<vmem>>)
      tpu.yield
    }) : () -> ()
    %scan3A_18 = arith.constant 0 : i32
    %scan3A_19 = arith.constant 0 : i32
    %scan3A_20 = arith.constant 128 : i32
    %scan3A_21 = arith.addi %scan3A_19, %scan3A_20 : i32
    %scan3A_22 = arith.constant 1 : i32
    scf.for %scan3A_26 = %scan3A_19 to %scan3A_21 step %scan3A_22  : i32 {
      %mul3A_27 = arith.constant 16 : i32
      %mul3A_28 = arith.muli %scan3A_26, %mul3A_27 : i32
      %add3A_29 = vector.broadcast %mul3A_28 : i32 to vector<16xi32>
      %add3A_30 = arith.addi %add3A_29, %iota3A : vector<16xi32>
      %shift_right_logical3A = arith.constant 2 : i32
      %shift_right_logical3A_31 = vector.broadcast %shift_right_logical3A : i32 to vector<16xi32>
      %shift_right_logical3A_32 = arith.shrui %add3A_30, %shift_right_logical3A_31 : vector<16xi32>
      %and3A = arith.constant 3 : i32
      %and3A_33 = vector.broadcast %and3A : i32 to vector<16xi32>
      %and3A_34 = arith.andi %add3A_30, %and3A_33 : vector<16xi32>
      %gather3A = tpu.vector_load_idx %arg10[%shift_right_logical3A_32] : memref<512xi32, #tpu.memory_space<vmem>>[vector<16xi32>], vector<16xi32>,
      %mul3A_35 = arith.constant 4 : i32
      %mul3A_36 = vector.broadcast %mul3A_35 : i32 to vector<16xi32>
      %mul3A_37 = arith.muli %gather3A, %mul3A_36 : vector<16xi32>
      %add3A_38 = arith.addi %mul3A_37, %and3A_34 : vector<16xi32>
      %gather3A_39 = tpu.vector_load_idx %arg9[%add3A_38] : memref<16384xf32, #tpu.memory_space<vmem>>[vector<16xi32>], vector<16xf32>,
      %mul3A_40 = arith.constant 16 : i32
      %mul3A_41 = arith.muli %scan3A_26, %mul3A_40 : i32
      %get3A = arith.index_cast %mul3A_41 : i32 to index
      %get3A_42 = tpu.vector_load %arg11[%get3A] {strides = array<i32>} : memref<2048xf32, #tpu.memory_space<vmem>>, vector<16xf32>,
      %mul3A_43 = arith.mulf %gather3A_39, %get3A_42 : vector<16xf32>
      %mul3A_44 = arith.constant 16 : i32
      %mul3A_45 = arith.muli %scan3A_26, %mul3A_44 : i32
      %swap3A = arith.index_cast %mul3A_45 : i32 to index
      %swap3A_46 = tpu.vector_load %arg12[%swap3A] {strides = array<i32>} : memref<2048xf32, #tpu.memory_space<vmem>>, vector<16xf32>,
      tpu.vector_store %arg12[%swap3A], %mul3A_43 {strides = array<i32>} : memref<2048xf32, #tpu.memory_space<vmem>>, vector<16xf32>,
    }
    %scan3A_23 = arith.constant 128 : i32
    %mul3A_24 = arith.constant 4 : i32
    %mul3A_25 = arith.muli %mul3A_2, %mul3A_24 : i32
    "tpu.region"() ({
      %run_scoped3A = tpu.sem_alloc : memref<!tpu.dma_semaphore, #tpu.memory_space<semaphore_mem>>
      %dma_start3A = tpu.memref_slice %arg5[%mul3A_25] : memref<65536xf32, #tpu.memory_space<hbm>> -> memref<2048xf32, #tpu.memory_space<hbm>>
      %dma_start3A_26 = tpu.memref_slice %arg5[%mul3A_25] : memref<65536xf32, #tpu.memory_space<hbm>> -> memref<2048xf32, #tpu.memory_space<hbm>>
      tpu.enqueue_dma source(%arg12 : memref<2048xf32, #tpu.memory_space<vmem>>) target(%dma_start3A_26 : memref<2048xf32, #tpu.memory_space<hbm>>) target_semaphore(%run_scoped3A : memref<!tpu.dma_semaphore, #tpu.memory_space<semaphore_mem>>)
      %dma_wait3A = tpu.memref_slice %arg5[%mul3A_25] : memref<65536xf32, #tpu.memory_space<hbm>> -> memref<2048xf32, #tpu.memory_space<hbm>>
      %dma_wait3A_27 = tpu.memref_slice %arg5[%mul3A_25] : memref<65536xf32, #tpu.memory_space<hbm>> -> memref<2048xf32, #tpu.memory_space<hbm>>
      tpu.wait_dma2 semaphore(%run_scoped3A : memref<!tpu.dma_semaphore, #tpu.memory_space<semaphore_mem>>) src(%arg12 : memref<2048xf32, #tpu.memory_space<vmem>>) dst(%dma_wait3A_27 : memref<2048xf32, #tpu.memory_space<hbm>>)
      tpu.yield
    }) : () -> ()
    return
  }
}

</mosaic_0001>

<sc_bundles>
// kernel: kernel.4.cloned.1.call-start
scs
__scs_entry_jumppad:
0x0: {  	(pc) =	sbr.rel $0x88, $3  }
0x1: {  	(tag) =	ssettag $0x0;
	lr =	simm.s32 $0x1  }
0x2: {  	[smem:$0x3F9F] =	sst lr;
	_ =	strace $0xD0000000  }
0x3: {  	_ = 	snop  }
0x4: {  	_ = 	snop  }
0x5: {  	_ = 	snop  }
0x6: {  	_ = 	snop  }
0x7: {  	_ = 	snop  }
__scs_overlays_trampoline_lowered:
0x8: {  	[smem:$0x3FAE] =	sst s0  }
0x9: {  	[smem:$0x3FAF] =	sst s1  }
0xa: {  	[smem:$0x3FB0] =	sst s2  }
0xb: {  	[smem:$0x3FB1] =	sst s3  }
0xc: {  	[smem:$0x3FB2] =	sst s4  }
0xd: {  	[smem:$0x3FB3] =	sst s5  }
0xe: {  	[smem:$0x3FB4] =	sst s6  }
0xf: {  	[smem:$0x3FB5] =	sst s7  }
0x10: {  	[smem:$0x3FB6] =	sst s8  }
0x11: {  	[smem:$0x3FB7] =	sst s9;
	s0 =	simm.s32 @!p0 $0x0  }
0x12: {  	s1 =	sld [smem:$0x3F9D];
	s0 =	simm.s32 @p0 $0x1  }
0x13: {  	[smem:$0x3FB8] =	sst s0;
	s0 =	simm.s32 @!p1 $0x0  }
0x14: {  	s2 =	sld [smem:$0x3F9C];
	s0 =	simm.s32 @p1 $0x1  }
0x15: {  	[smem:$0x3FB9] =	sst s0;
	s0 =	simm.s32 @!p2 $0x0  }
0x16: {  	s3 =	sld [smem:$0x3FDB];
	s0 =	simm.s32 @p2 $0x1  }
0x17: {  	s4 =	simm.s32 $0x1BF5;
	[smem:$0x3FBB] =	sst s0  }
0x18: {  	s0 =	sld [smem:$0x3F9E];
	_ =	swait.ge [sflag:s4], $0x0  }
0x19: {  	s7 =	sld [smem:$0x3F9F]  }
0x1a: {  	s8 =	sadd.s32 $0xFFFFE003, lr  }
0x1b: {  	s9 =	sadd.s32 $0xFFFFFEF7, lr;
	s5 =	simm.s32 $0xFFFFFFFF;
	p2 =	slt.u32 s8, $0xFFFFF086  }
0x1c: {  	p1 =	slt.u32 s9, $0xF7A;
	s5 =	simm.s32 @!p2 $0x0  }
0x1d: {  	s5 =	simm.s32 @p1 $0x1;
	p0 =	seq.s32 s7, s2  }
0x1e: {  	s7 =	smul.u32 @!p0 $0xF7A, s2;
	p2 =	seq.s32 @!p0 s5, $0x0  }
0x1f: {  	s9 =	smul.u32 $0xF7A, s1;
	s8 =	simm.s32 @!p0 $0x1BF5;
	p2 =	por !p2, p0  }
0x20: {  	[sflag:s8] =	ssyncset.s32 @!p0 $0xFFFFF086;
	s6 =	sadd.s32 @!p0 s3, s7;
	s7 =	simm.s32 @!p0 $0x108  }
0x21: {  	s3 =	sadd.s32 s3, s9;
	s6 =	sadd.s32 @!p0 $0x88, s6;
	s7 =	simm.s32 @p2 $0x1082  }
0x22: {  	[simem:s7], [sflag:s8] =	dma.local @!p0 [hbm:s6], $0xF7A  }
0x23: {  	s9 =	sor.u32 $0xD0000000, s2;
	s6 =	simm.s32 $0x108;
	_ =	swait.ge @!p0 [sflag:s8], $0x0  }
0x24: {  	s3 =	sadd.s32 $0x88, s3;
	s6 =	simm.s32 @!p1 $0x1082;
	[sflag:s4] =	ssyncset.s32 $0xFFFFF086  }
0x25: {  	[simem:s6], [sflag:s4] =	dma.local [hbm:s3], $0xF7A  }
0x26: {  	[smem:$0x3F9F] =	sst s1;
	(tag) =	ssettag s2;
	_ =	strace s9  }
0x27: {  	s1 =	sld [smem:$0x3FAF]  }
0x28: {  	s2 =	sld [smem:$0x3FB0]  }
0x29: {  	s4 =	sld [smem:$0x3FB2]  }
0x2a: {  	p0 =	seq.s32 s5, $0x0;
	s5 =	sld [smem:$0x3FB3]  }
0x2b: {  	s6 =	sld [smem:$0x3FB4]  }
0x2c: {  	s7 =	sld [smem:$0x3FB5]  }
0x2d: {  	s3 =	simm.s32 $0x108;
	s8 =	sld [smem:$0x3FB6]  }
0x2e: {  	s3 =	simm.s32 @!p0 $0x1082;
	s9 =	sld [smem:$0x3FB7]  }
0x2f: {  	lr =	sadd.s32 s0, s3;
	s0 =	sld [smem:$0x3FAE]  }
0x30: {  	s3 =	sld [smem:$0x3FB1]  }
0x31: {  	[smem:$0x3FBA] =	sst s10  }
0x32: {  	s10 =	sld [smem:$0x3FB8];
	_ =	sdelay $0x3  }
0x33: {  	p0 =	seq.s32 s10, $0x1;
	s10 =	sld [smem:$0x3FBA];
	_ =	sdelay $0x3  }
0x34: {  	[smem:$0x3FBA] =	sst s10  }
0x35: {  	s10 =	sld [smem:$0x3FB9];
	_ =	sdelay $0x3  }
0x36: {  	p1 =	seq.s32 s10, $0x1;
	s10 =	sld [smem:$0x3FBA];
	_ =	sdelay $0x3  }
0x37: {  	[smem:$0x3FBA] =	sst s10  }
0x38: {  	s10 =	sld [smem:$0x3FBB]  }
0x39: {  	_ = 	snop;
	(pc) =	sbr.ind lr, $3  }
0x3a: {  	_ = 	snop  }
0x3b: {  	_ = 	snop  }
0x3c: {  	p2 =	seq.s32 s10, $0x1;
	s10 =	sld [smem:$0x3FBA]  }
0x3d: {  	_ =	shalt  }
0x3e: {  	_ =	shalt  }
0x3f: {  	_ =	shalt  }
0x40: {  	_ =	shalt  }
0x41: {  	_ =	shalt  }
0x42: {  	_ =	shalt  }
0x43: {  	_ =	shalt  }
0x44: {  	_ =	shalt  }
0x45: {  	_ =	shalt  }
0x46: {  	_ =	shalt  }
0x47: {  	_ =	shalt  }
0x48: {  	_ =	shalt  }
0x49: {  	_ =	shalt  }
0x4a: {  	_ =	shalt  }
0x4b: {  	_ =	shalt  }
0x4c: {  	_ =	shalt  }
0x4d: {  	_ =	shalt  }
0x4e: {  	_ =	shalt  }
0x4f: {  	_ =	shalt  }
0x50: {  	_ =	shalt  }
0x51: {  	_ =	shalt  }
0x52: {  	_ =	shalt  }
0x53: {  	_ =	shalt  }
0x54: {  	_ =	shalt  }
0x55: {  	_ =	shalt  }
0x56: {  	_ =	shalt  }
0x57: {  	_ =	shalt  }
0x58: {  	_ =	shalt  }
0x59: {  	_ =	shalt  }
0x5a: {  	_ =	shalt  }
0x5b: {  	_ =	shalt  }
0x5c: {  	_ =	shalt  }
0x5d: {  	_ =	shalt  }
0x5e: {  	_ =	shalt  }
0x5f: {  	_ =	shalt  }
0x60: {  	_ =	shalt  }
0x61: {  	_ =	shalt  }
0x62: {  	_ =	shalt  }
0x63: {  	_ =	shalt  }
0x64: {  	_ =	shalt  }
0x65: {  	_ =	shalt  }
0x66: {  	_ =	shalt  }
0x67: {  	_ =	shalt  }
0x68: {  	_ =	shalt  }
0x69: {  	_ =	shalt  }
0x6a: {  	_ =	shalt  }
0x6b: {  	_ =	shalt  }
0x6c: {  	_ =	shalt  }
0x6d: {  	_ =	shalt  }
0x6e: {  	_ =	shalt  }
0x6f: {  	_ =	shalt  }
0x70: {  	_ =	shalt  }
0x71: {  	_ =	shalt  }
0x72: {  	_ =	shalt  }
0x73: {  	_ =	shalt  }
0x74: {  	_ =	shalt  }
0x75: {  	_ =	shalt  }
0x76: {  	_ =	shalt  }
0x77: {  	_ =	shalt  }
0x78: {  	_ =	shalt  }
0x79: {  	_ =	shalt  }
0x7a: {  	_ =	shalt  }
0x7b: {  	_ =	shalt  }
0x7c: {  	_ =	shalt  }
0x7d: {  	_ =	shalt  }
0x7e: {  	_ =	shalt  }
0x7f: {  	_ =	shalt  }
0x80: {  	_ =	shalt  }
0x81: {  	_ =	shalt  }
0x82: {  	_ =	shalt  }
0x83: {  	_ =	shalt  }
0x84: {  	_ =	shalt  }
0x85: {  	_ =	shalt  }
0x86: {  	_ =	shalt  }
0x87: {  	_ =	shalt  }
.Lfunc_end0:
.L_simem_size_0:
called_computation_lowered:
.L_overlay_start_0:
0x88: {  	s2 =	sld [smem:$0x3FD9]  }
0x89: {  	s3 =	sld [smem:$0x3FFE];
	_ =	sdelay $0x1  }
0x8a: {  	s1 =	srdreg.scid  }
0x8b: {  	s0 =	sand.u32 $0x1, s1  }
0x8c: {  	s16 =	sshll.u32 s0, $0xA;
	s2 =	sadd.s32 s3, s2  }
0x8d: {  	s2 =	sadd.s32 s2, s16  }
0x8e: {  	[smem:$0x3FC6] =	sst s2  }
0x8f: {  	_ = 	snop  }
0x90: {  	(tm) =	ssettm $0x1  }
0x91: {  	s17 =	sld [smem:$0x3FFB];
	_ =	sdelay $0x3  }
0x92: {  	_ =	strace s17  }
0x93: {  	s2 =	sld [smem:$0x3FFC];
	_ =	sdelay $0x3  }
0x94: {  	_ =	strace s2  }
0x95: {  	s2 =	sld [smem:$0x3FFD];
	_ =	sdelay $0x3  }
0x96: {  	_ =	strace s2  }
0x97: {  	_ =	strace $0x8FFFFFFF  }
0x98: {  	s18 =	sld [smem:$0x3FDB];
	_ =	sdelay $0x1  }
0x99: {  	s19 =	simm.s32 $_scs_section_size  }
0x9a: {  	s4 =	simm.s32 $_size__tile_overlayer_lowered;
	s5 =	simm.s32 $_tile_overlayer_lowered  }
0x9b: {  	s22 =	simm.s32 $0x1BFF;
	s21 =	sshll.u32 s5, $0x1;
	s2 =	sadd.s32 s19, s18  }
0x9c: {  	s6 =	simm.s32 $0x0;
	s20 =	sshll.u32 s4, $0x1;
	s4 =	sadd.s32 s21, s2  }
0x9d: {  	[timem:s6], [sflag:s22] =	dma.local [hbm:s4], s20  }
0x9e: {  	_ =	swait.ge [sflag:s22], s20  }
0x9f: {  	s3 =	ssub.s32 $0x0, s20;
	[sflag:s22] =	ssyncset.done $0x0  }
0xa0: {  	[sflag:s22] =	ssyncadd.s32 s3;
	_ =	sdelay $0x1  }
0xa1: {  	s23 =	simm.s32 $0x1B8B  }
0xa2: {  	_ =	swait.ge [sflag:s23], $0x1  }
0xa3: {  	[sflag:s23] =	ssyncset.done $0x0  }
0xa4: {  	s25 =	simm.s32 $0x1B8E;
	s24 =	sld [smem:$0x3FFE];
	[sflag:s23] =	ssyncadd.s32 $0xFFFFFFFF  }
0xa5: {  	s26 =	simm.s32 $execute0_lowered;
	[smem:$0x3FD2] =	sst s25  }
0xa6: {  	s4 =	sshll.u32 s26, $0x1;
	_ =	strace $0x80000046;
	[dreg:$0x1] =	wrdreg $0xFFFFFFFF  }
0xa7: {  	s28 =	simm.s32 $_size_execute0_lowered;
	s2 =	sadd.s32 s2, s4;
	[dreg:$0x0] =	wrdreg $0x0  }
0xa8: {  	s4 =	sshll.u32 s28, $0x1;
	[dreg:$0x2] =	wrdreg s2  }
0xa9: {  	[dreg:$0x3] =	wrdreg s4  }
0xaa: {  	[dreg:$0x4] =	wrdreg $0xC0  }
0xab: {  	_ =	task [dreg:s6], $0x5FFFF  }
0xac: {  	[dreg:$0x1] =	wrdreg $0xFFFFFFFF  }
0xad: {  	[dreg:$0x0] =	wrdreg $0x60  }
0xae: {  	[dreg:$0x2] =	wrdreg s24  }
0xaf: {  	[dreg:$0x3] =	wrdreg $0x64000  }
0xb0: {  	[dreg:$0x4] =	wrdreg $0x9  }
0xb1: {  	_ =	task.clear_ibuf [dreg:s6], $0x5FFFF;
	_ =	strace $0x90000046  }
0xb2: {  	s29 =	simm.s32 $0x9;
	_ =	strace $0x80000048  }
0xb3: {  	_ =	swait.ge [sflag:s29], $0x1  }
0xb4: {  	[sflag:s29] =	ssyncadd.s32 $0xFFFFFFFF  }
0xb5: {  	_ =	strace $0x90000048  }
0xb6: {  	_ =	sfence  }
0xb7: {  	s30 =	sld [smem:$0x0];
	_ =	sdelay $0x2  }
0xb8: {  	s31 =	sshll.u32 s1, $0xD;
	s1 =	sshrl.u32 s1, $0x2  }
0xb9: {  	s3 =	sand.u32 $0x4000, s31;
	s1 =	sadd.s32 s1, s30  }
0xba: {  	s0 =	sor.u32 s3, s0;
	s1 =	sshll.u32 s1, $0x11  }
0xbb: {  	s0 =	sor.u32 s1, s0  }
0xbc: {  	s0 =	sadd.s32 $0x8F2B, s0  }
0xbd: {  	[sflag:s0] =	ssyncadd.remote.s32 $0x1  }
0xbe: {  	_ =	sfence.sel $0xFFFF  }
0xbf: {  	[dreg:$0x0] =	wrdreg $0xFFFFFFFF;
	(pc) =	sbr.abs _section_cstart, $3  }
0xc0: {  	[dreg:$0x1] =	wrdreg $0xFFFFFFFF  }
0xc1: {  	_ =	task.clear_ibuf [dreg:s6], $0x2FFFF;
	_ =	strace $0x9FFFFFFF  }
0xc2: {  	(tm) =	ssettm $0x7FFFFFFF  }
0xc3: {  	_ =	shalt  }
tec
execute0_lowered:
.L_overlay_start_1:
0x0: {  	(tag) =	ssettag $0x1  }
0x1: {  	s3 =	rddreg [dreg:$0x0]  }
0x2: {  	s0 =	srdreg.scid;
	s6 =	rddreg [dreg:$0x1]  }
0x3: {  	s1 =	stileid.u32;
	s2 =	simm.s32 $0x0;
	s12 =	simm.s32 $0x80  }
0x4: {  	s13 =	simm.s32 $0x400;
	s14 =	simm.s32 $0x5A00;
	s15 =	simm.s32 $0x5F00  }
0x5: {  	s16 =	simm.s32 $0x100;
	s4 =	sand.u32 $0x1, s0;
	s0 =	rddreg [dreg:$0x2]  }
0x6: {  	s17 =	simm.s32 $0x0;
	[smem:$0x7FF] =	sst s2;
	s8 =	smul.u32 $0xA00, s1  }
0x7: {  	s28 =	sshrl.u32 s1, $0x3;
	s30 =	sshll.u32 s1, $0x7;
	s11 =	smul.u32 $0xA000, s1  }
0x8: {  	s5 =	sshll.u32 s4, $0x4;
	_ =	strace $0x80000047;
	s9 =	sshll.u32 s4, $0x7  }
0x9: {  	s4 =	ssub.s32 $0x2, s4;
	s5 =	sor.u32 s1, s5;
	s8 =	sor.u32 s9, s8  }
0xa: {  	s10 =	sshrl.u32 s4, $0x1;
	s9 =	smul.u32 $0xA0000, s28;
	s31 =	sshrl.u32 s11, $0x2  }
0xb: {  	s11 =	simm.s32 $0xA00;
	s7 =	sshll.u32 s5, $0x6;
	s8 =	sshrl.u32 s8, $0x3  }
0xc: {  	s10 =	ssub.s32 s4, s10;
	s29 =	sshll.u32 s5, $0x8;
	s5 =	sand.u32 $0x380, s30  }
0xd: {  	v0 =	vlaneseq.u32;
	s7 =	sadd.s32 s7, s3;
	s8 =	sadd.s32 s8, s3;
	s9 =	sshrl.u32 s9, $0x2  }
0xe: {  	v0 =	vmul.u32 $0x4, v0;
	s3 =	sadd.s32 s3, s29;
	s9 =	sadd.s32 s9, s6;
	s4 =	sadd.s32 $0x2400, s7  }
0xf: {  	v1 =	vimm.f32 $0.0e+00;
	v5 =	vimm.f32 $1.000000000e+00;
	s6 =	sadd.s32 s31, s6;
	s7 =	sadd.s32 $0x2C00, s8;
	s8 =	smax.u32 s10, $0x1  }
0x10: {  	v2 =	vor.u32 $0x1, v0;
	v3 =	vor.u32 $0x2, v0;
	v4 =	vor.u32 $0x3, v0;
	s10 =	simm.s32 $0x800;
	s5 =	sadd.s32 s5, s9;
	s9 =	simm.s32 $0x1  }
.LBB2_1:
0x11: {  	[tilespmem:s2], [sflag:$0x1] =	stream.linear.gather [hbm4b:s3+s2], $0x800, $0x38;
	[tilespmem:$0xB400] =	vst v63  }
0x12: {  	_ =	swait.ge [sflag:s9], $0x800  }
0x13: {  	[sflag:s9] =	ssyncset.done $0x0  }
0x14: {  	[sflag:s9] =	ssyncadd.s32 $0xFFFFF800  }
0x15: {  	[tilespmem:s10], [sflag:$0x1] =	stream.linear.gather [hbm4b:s4+s2], $0x200, $0x38;
	[tilespmem:$0xB400] =	vst v63  }
0x16: {  	_ =	swait.ge [sflag:s9], $0x200  }
0x17: {  	[sflag:s9] =	ssyncset.done $0x0  }
0x18: {  	s18 =	simm.s32 $0x0;
	[sflag:s9] =	ssyncadd.s32 $0xFFFFFE00  }
.LBB2_2:
0x19: {  	p0 =	sne.s32 s18, $0x13FC0  }
.Ltmp0:
0x1a: {  	_ = 	snop;
	(pc) =	sbr.rel @p0 .LBB2_2-.Ltmp0, $3  }
0x1b: {  	_ =	sdelay $0x1  }
0x1c: {  	s19 =	sshra.s32 s18, $0x2  }
0x1d: {  	s18 =	sadd.s32 $0x40, s18;
	[tilespmem:s19+$0xA00] =	vst v1  }
0x1e: {  	s18 =	simm.s32 $0x0  }
0x1f: {  	v6 =	vor.u32 s18, v0;
	_ =	sdelay $0x2  }
0x20: {  	s19 =	simm.s32 $0x0  }
0x21: {  	v7 =	vld [tilespmem:s19+$0x800];
	s19 =	simm.s32 $0x40  }
.LBB2_4:
0x22: {  	p0 =	sne.s32 s19, $0x7C0;
	v6 =	vld.idx.msk [tilespmem:v6+s2+$0x0], $0xffff;
	_ =	sdelay $0x3  }
0x23: {  	v7 =	vmul.u32 $0x5, v7;
	_ =	sdelay $0x1  }
0x24: {  	v8 =	vor.u32 s18, v2;
	_ =	sdelay $0x3  }
0x25: {  	[tilespmem:v7+s11+$0x0] =	vst.idx.add.f32.msk $0xffff, v6  }
0x26: {  	v6 =	vld.idx.msk [tilespmem:v8+s2+$0x0], $0xffff  }
0x27: {  	v8 =	vadd.s32 $0x1, v7  }
0x28: {  	v9 =	vor.u32 s18, v3;
	_ =	sdelay $0x3  }
0x29: {  	[tilespmem:v8+s11+$0x0] =	vst.idx.add.f32.msk $0xffff, v6  }
0x2a: {  	v6 =	vld.idx.msk [tilespmem:v9+s2+$0x0], $0xffff  }
0x2b: {  	v8 =	vadd.s32 $0x2, v7  }
0x2c: {  	v9 =	vor.u32 s18, v4;
	s18 =	smov.u32 s19;
	_ =	sdelay $0x3  }
0x2d: {  	[tilespmem:v8+s11+$0x0] =	vst.idx.add.f32.msk $0xffff, v6  }
0x2e: {  	v8 =	vld.idx.msk [tilespmem:v9+s2+$0x0], $0xffff  }
0x2f: {  	v9 =	vadd.s32 $0x3, v7  }
0x30: {  	v7 =	vadd.s32 $0x4, v7;
	_ =	sdelay $0x1  }
.Ltmp1:
0x31: {  	v6 =	vor.u32 s19, v0;
	(pc) =	sbr.rel @p0 .LBB2_4-.Ltmp1, $4  }
0x32: {  	_ = 	snop  }
0x33: {  	[tilespmem:v9+s11+$0x0] =	vst.idx.add.f32.msk $0xffff, v8  }
0x34: {  	s20 =	sshra.s32 s19, $0x2;
	[tilespmem:v7+s11+$0x0] =	vst.idx.add.f32.msk $0xffff, v5  }
0x35: {  	s19 =	sadd.s32 $0x40, s19;
	v7 =	vld [tilespmem:s20+$0x800]  }
0x36: {  	_ =	sdelay $0x3  }
0x37: {  	v7 =	vmul.u32 $0x5, v7  }
0x38: {  	v6 =	vld.idx.msk [tilespmem:v6+s2+$0x0], $0xffff  }
0x39: {  	v8 =	vor.u32 s18, v2;
	_ =	sdelay $0x3  }
0x3a: {  	[tilespmem:v7+s11+$0x0] =	vst.idx.add.f32.msk $0xffff, v6  }
0x3b: {  	v60 =	vadd.s32 $0x1, v7;
	v6 =	vld.idx.msk [tilespmem:v8+s2+$0x0], $0xffff  }
0x3c: {  	v9 =	vor.u32 s18, v3;
	_ =	sdelay $0x3  }
0x3d: {  	[tilespmem:v60+s11+$0x0] =	vst.idx.add.f32.msk $0xffff, v6  }
0x3e: {  	v61 =	vadd.s32 $0x2, v7;
	v6 =	vld.idx.msk [tilespmem:v9+s2+$0x0], $0xffff  }
0x3f: {  	v62 =	vor.u32 s18, v4;
	_ =	sdelay $0x3  }
0x40: {  	[tilespmem:v61+s11+$0x0] =	vst.idx.add.f32.msk $0xffff, v6  }
0x41: {  	v63 =	vadd.s32 $0x3, v7;
	v6 =	vld.idx.msk [tilespmem:v62+s2+$0x0], $0xffff  }
0x42: {  	v7 =	vadd.s32 $0x4, v7;
	_ =	sdelay $0x3  }
0x43: {  	[tilespmem:v63+s11+$0x0] =	vst.idx.add.f32.msk $0xffff, v6  }
0x44: {  	s18 =	simm.s32 $0x1;
	[tilespmem:v7+s11+$0x0] =	vst.idx.add.f32.msk $0xffff, v5  }
0x45: {  	[spmem:s5] =	stream.strided.scatter [tilespmem:s11], [sflag:$0x1], $0x5000, s13, s12, $0x38;
	[tilespmem:$0xB400] =	vst v63  }
0x46: {  	_ =	swait.ge [sflag:s18], $0x5000  }
0x47: {  	[sflag:s18] =	ssyncset.done $0x0  }
0x48: {  	[sflag:s18] =	ssyncadd.s32 $0xFFFFB000  }
0x49: {  	[bflag:$0x0] =	sbarrier.arrive $0xFFFF  }
0x4a: {  	[tilespmem:s14], [sflag:$0x1] =	stream.strided.gather [spmem:s6], $0x500, s13, s12, $0x38;
	[tilespmem:$0xB400] =	vst v63  }
0x4b: {  	_ =	swait.ge [sflag:s18], $0x500  }
0x4c: {  	[sflag:s18] =	ssyncset.done $0x0  }
0x4d: {  	[sflag:s18] =	ssyncadd.s32 $0xFFFFFB00  }
.LBB2_6:
0x4e: {  	s19 =	sshrl.u32 s18, $0x3  }
0x4f: {  	s19 =	smul.u32 $0xA0000, s19;
	_ =	sdelay $0x1  }
0x50: {  	s20 =	sshll.u32 s18, $0x7;
	s19 =	sshra.s32 s19, $0x2  }
0x51: {  	s20 =	sand.u32 $0x380, s20;
	s19 =	sadd.s32 s19, s6  }
0x52: {  	s19 =	sadd.s32 s20, s19  }
0x53: {  	[tilespmem:s15], [sflag:$0x1] =	stream.strided.gather [spmem:s19], $0x500, s13, s12, $0x38;
	[tilespmem:$0xB400] =	vst v63  }
0x54: {  	_ =	swait.ge [sflag:s9], $0x500  }
0x55: {  	[sflag:s9] =	ssyncset.done $0x0  }
0x56: {  	s19 =	simm.s32 $0x0;
	[sflag:s9] =	ssyncadd.s32 $0xFFFFFB00  }
0x57: {  	s20 =	simm.s32 $0x40;
	v6 =	vld [tilespmem:s19+$0x5F00]  }
.LBB2_7:
0x58: {  	p0 =	sne.s32 s20, $0x13C0;
	v7 =	vld [tilespmem:s19+$0x5A00];
	_ =	sdelay $0x2  }
.Ltmp2:
0x59: {  	(pc) =	sbr.rel @p0 .LBB2_7-.Ltmp2, $4  }
0x5a: {  	_ = 	snop  }
0x5b: {  	v7 =	vadd.f32 v6, v7  }
0x5c: {  	s21 =	sshra.s32 s20, $0x2  }
0x5d: {  	s20 =	sadd.s32 $0x40, s20;
	v6 =	vld [tilespmem:s21+$0x5F00];
	[tilespmem:s19+$0x5A00] =	vst v7;
	s19 =	smov.u32 s21  }
0x5e: {  	v7 =	vld [tilespmem:s19+$0x5A00]  }
0x5f: {  	s18 =	sadd.s32 $0x1, s18  }
0x60: {  	p0 =	sne.s32 s18, $0x10  }
.Ltmp3:
0x61: {  	_ = 	snop;
	(pc) =	sbr.rel @p0 .LBB2_6-.Ltmp3, $3  }
0x62: {  	_ = 	snop  }
0x63: {  	v6 =	vadd.f32 v6, v7;
	_ =	sdelay $0x1  }
0x64: {  	[tilespmem:s19+$0x5A00] =	vst v6  }
0x65: {  	s17 =	sadd.s32 $0x1, s17  }
0x66: {  	p0 =	sne.s32 s17, s8  }
.Ltmp4:
0x67: {  	_ = 	snop;
	(pc) =	sbr.rel @p0 .LBB2_1-.Ltmp4, $4  }
0x68: {  	[hbm4b:s7+s12] =	stream.strided.scatter [tilespmem:s14], [sflag:$0x1], $0x500, s16, s12, $0x38;
	[tilespmem:$0xB400] =	vst v63  }
0x69: {  	_ =	swait.ge [sflag:s9], $0x500  }
0x6a: {  	[sflag:s9] =	ssyncset.done $0x0  }
0x6b: {  	[sflag:s9] =	ssyncadd.s32 $0xFFFFFB00  }
0x6c: {  	_ =	sfence.sel $0x180000  }
0x6d: {  	[bflag:$0x0] =	sbarrier.arrive $0xFFFF  }
0x6e: {  	p0 =	sne.s32 s1, $0x0;
	_ =	strace $0x90000047  }
0x6f: {  	s0 =	sadd.s32 @!p0 $0x100000, s0;
	[bflag:$0x2] =	sbarrier.arrive $0xFFFF  }
0x70: {  	[sflag:s0] =	ssyncadd.tile.s32 @!p0 $0x1;
	_ =	shalt  }
.Lfunc_end2:
_tile_overlayer_lowered:
.L_overlay_start_2:
0x71: {  	(tag) =	ssettag $0x2  }
0x72: {  	s0 =	rddreg [dreg:$0x0];
	s2 =	stileid.u32  }
0x73: {  	s1 =	rddreg [dreg:$0x1];
	p0 =	sne.s32 s2, $0x0  }
0x74: {  	s3 =	rddreg [dreg:$0x2];
	[bflag:$0x3] =	sbarrier.arrive $0xFFFF;
	s2 =	simm.s32 @!p0 $0x1C01  }
0x75: {  	[timem:s3], [sflag:s2] =	dma.local @!p0 [hbm:s0], s1  }
0x76: {  	s0 =	simm.s32 @!p0 $0x1  }
0x77: {  	_ =	swait.ge @!p0 [sflag:s0], s1  }
0x78: {  	s1 =	ssub.s32 @!p0 $0x0, s1;
	[sflag:s0] =	ssyncset.done @!p0 $0x0  }
0x79: {  	[sflag:s0] =	ssyncadd.s32 @!p0 s1  }
0x7a: {  	[bflag:$0x3] =	sbarrier.arrive $0xFFFF  }
0x7b: {  	_ =	shalt  }

// kernel: kernel.7.cloned.1.call-start
scs
__scs_entry_jumppad:
0x0: {  	(pc) =	sbr.rel $0x88, $3  }
0x1: {  	(tag) =	ssettag $0x0;
	lr =	simm.s32 $0x1  }
0x2: {  	[smem:$0x3F9F] =	sst lr;
	_ =	strace $0xD0000000  }
0x3: {  	_ = 	snop  }
0x4: {  	_ = 	snop  }
0x5: {  	_ = 	snop  }
0x6: {  	_ = 	snop  }
0x7: {  	_ = 	snop  }
__scs_overlays_trampoline_lowered:
0x8: {  	[smem:$0x3FAE] =	sst s0  }
0x9: {  	[smem:$0x3FAF] =	sst s1  }
0xa: {  	[smem:$0x3FB0] =	sst s2  }
0xb: {  	[smem:$0x3FB1] =	sst s3  }
0xc: {  	[smem:$0x3FB2] =	sst s4  }
0xd: {  	[smem:$0x3FB3] =	sst s5  }
0xe: {  	[smem:$0x3FB4] =	sst s6  }
0xf: {  	[smem:$0x3FB5] =	sst s7  }
0x10: {  	[smem:$0x3FB6] =	sst s8  }
0x11: {  	[smem:$0x3FB7] =	sst s9;
	s0 =	simm.s32 @!p0 $0x0  }
0x12: {  	s1 =	sld [smem:$0x3F9D];
	s0 =	simm.s32 @p0 $0x1  }
0x13: {  	[smem:$0x3FB8] =	sst s0;
	s0 =	simm.s32 @!p1 $0x0  }
0x14: {  	s2 =	sld [smem:$0x3F9C];
	s0 =	simm.s32 @p1 $0x1  }
0x15: {  	[smem:$0x3FB9] =	sst s0;
	s0 =	simm.s32 @!p2 $0x0  }
0x16: {  	s3 =	sld [smem:$0x3FDB];
	s0 =	simm.s32 @p2 $0x1  }
0x17: {  	s4 =	simm.s32 $0x1BF5;
	[smem:$0x3FBB] =	sst s0  }
0x18: {  	s0 =	sld [smem:$0x3F9E];
	_ =	swait.ge [sflag:s4], $0x0  }
0x19: {  	s7 =	sld [smem:$0x3F9F]  }
0x1a: {  	s8 =	sadd.s32 $0xFFFFE003, lr  }
0x1b: {  	s9 =	sadd.s32 $0xFFFFFEF7, lr;
	s5 =	simm.s32 $0xFFFFFFFF;
	p2 =	slt.u32 s8, $0xFFFFF086  }
0x1c: {  	p1 =	slt.u32 s9, $0xF7A;
	s5 =	simm.s32 @!p2 $0x0  }
0x1d: {  	s5 =	simm.s32 @p1 $0x1;
	p0 =	seq.s32 s7, s2  }
0x1e: {  	s7 =	smul.u32 @!p0 $0xF7A, s2;
	p2 =	seq.s32 @!p0 s5, $0x0  }
0x1f: {  	s9 =	smul.u32 $0xF7A, s1;
	s8 =	simm.s32 @!p0 $0x1BF5;
	p2 =	por !p2, p0  }
0x20: {  	[sflag:s8] =	ssyncset.s32 @!p0 $0xFFFFF086;
	s6 =	sadd.s32 @!p0 s3, s7;
	s7 =	simm.s32 @!p0 $0x108  }
0x21: {  	s3 =	sadd.s32 s3, s9;
	s6 =	sadd.s32 @!p0 $0x88, s6;
	s7 =	simm.s32 @p2 $0x1082  }
0x22: {  	[simem:s7], [sflag:s8] =	dma.local @!p0 [hbm:s6], $0xF7A  }
0x23: {  	s9 =	sor.u32 $0xD0000000, s2;
	s6 =	simm.s32 $0x108;
	_ =	swait.ge @!p0 [sflag:s8], $0x0  }
0x24: {  	s3 =	sadd.s32 $0x88, s3;
	s6 =	simm.s32 @!p1 $0x1082;
	[sflag:s4] =	ssyncset.s32 $0xFFFFF086  }
0x25: {  	[simem:s6], [sflag:s4] =	dma.local [hbm:s3], $0xF7A  }
0x26: {  	[smem:$0x3F9F] =	sst s1;
	(tag) =	ssettag s2;
	_ =	strace s9  }
0x27: {  	s1 =	sld [smem:$0x3FAF]  }
0x28: {  	s2 =	sld [smem:$0x3FB0]  }
0x29: {  	s4 =	sld [smem:$0x3FB2]  }
0x2a: {  	p0 =	seq.s32 s5, $0x0;
	s5 =	sld [smem:$0x3FB3]  }
0x2b: {  	s6 =	sld [smem:$0x3FB4]  }
0x2c: {  	s7 =	sld [smem:$0x3FB5]  }
0x2d: {  	s3 =	simm.s32 $0x108;
	s8 =	sld [smem:$0x3FB6]  }
0x2e: {  	s3 =	simm.s32 @!p0 $0x1082;
	s9 =	sld [smem:$0x3FB7]  }
0x2f: {  	lr =	sadd.s32 s0, s3;
	s0 =	sld [smem:$0x3FAE]  }
0x30: {  	s3 =	sld [smem:$0x3FB1]  }
0x31: {  	[smem:$0x3FBA] =	sst s10  }
0x32: {  	s10 =	sld [smem:$0x3FB8];
	_ =	sdelay $0x3  }
0x33: {  	p0 =	seq.s32 s10, $0x1;
	s10 =	sld [smem:$0x3FBA];
	_ =	sdelay $0x3  }
0x34: {  	[smem:$0x3FBA] =	sst s10  }
0x35: {  	s10 =	sld [smem:$0x3FB9];
	_ =	sdelay $0x3  }
0x36: {  	p1 =	seq.s32 s10, $0x1;
	s10 =	sld [smem:$0x3FBA];
	_ =	sdelay $0x3  }
0x37: {  	[smem:$0x3FBA] =	sst s10  }
0x38: {  	s10 =	sld [smem:$0x3FBB]  }
0x39: {  	_ = 	snop;
	(pc) =	sbr.ind lr, $3  }
0x3a: {  	_ = 	snop  }
0x3b: {  	_ = 	snop  }
0x3c: {  	p2 =	seq.s32 s10, $0x1;
	s10 =	sld [smem:$0x3FBA]  }
0x3d: {  	_ =	shalt  }
0x3e: {  	_ =	shalt  }
0x3f: {  	_ =	shalt  }
0x40: {  	_ =	shalt  }
0x41: {  	_ =	shalt  }
0x42: {  	_ =	shalt  }
0x43: {  	_ =	shalt  }
0x44: {  	_ =	shalt  }
0x45: {  	_ =	shalt  }
0x46: {  	_ =	shalt  }
0x47: {  	_ =	shalt  }
0x48: {  	_ =	shalt  }
0x49: {  	_ =	shalt  }
0x4a: {  	_ =	shalt  }
0x4b: {  	_ =	shalt  }
0x4c: {  	_ =	shalt  }
0x4d: {  	_ =	shalt  }
0x4e: {  	_ =	shalt  }
0x4f: {  	_ =	shalt  }
0x50: {  	_ =	shalt  }
0x51: {  	_ =	shalt  }
0x52: {  	_ =	shalt  }
0x53: {  	_ =	shalt  }
0x54: {  	_ =	shalt  }
0x55: {  	_ =	shalt  }
0x56: {  	_ =	shalt  }
0x57: {  	_ =	shalt  }
0x58: {  	_ =	shalt  }
0x59: {  	_ =	shalt  }
0x5a: {  	_ =	shalt  }
0x5b: {  	_ =	shalt  }
0x5c: {  	_ =	shalt  }
0x5d: {  	_ =	shalt  }
0x5e: {  	_ =	shalt  }
0x5f: {  	_ =	shalt  }
0x60: {  	_ =	shalt  }
0x61: {  	_ =	shalt  }
0x62: {  	_ =	shalt  }
0x63: {  	_ =	shalt  }
0x64: {  	_ =	shalt  }
0x65: {  	_ =	shalt  }
0x66: {  	_ =	shalt  }
0x67: {  	_ =	shalt  }
0x68: {  	_ =	shalt  }
0x69: {  	_ =	shalt  }
0x6a: {  	_ =	shalt  }
0x6b: {  	_ =	shalt  }
0x6c: {  	_ =	shalt  }
0x6d: {  	_ =	shalt  }
0x6e: {  	_ =	shalt  }
0x6f: {  	_ =	shalt  }
0x70: {  	_ =	shalt  }
0x71: {  	_ =	shalt  }
0x72: {  	_ =	shalt  }
0x73: {  	_ =	shalt  }
0x74: {  	_ =	shalt  }
0x75: {  	_ =	shalt  }
0x76: {  	_ =	shalt  }
0x77: {  	_ =	shalt  }
0x78: {  	_ =	shalt  }
0x79: {  	_ =	shalt  }
0x7a: {  	_ =	shalt  }
0x7b: {  	_ =	shalt  }
0x7c: {  	_ =	shalt  }
0x7d: {  	_ =	shalt  }
0x7e: {  	_ =	shalt  }
0x7f: {  	_ =	shalt  }
0x80: {  	_ =	shalt  }
0x81: {  	_ =	shalt  }
0x82: {  	_ =	shalt  }
0x83: {  	_ =	shalt  }
0x84: {  	_ =	shalt  }
0x85: {  	_ =	shalt  }
0x86: {  	_ =	shalt  }
0x87: {  	_ =	shalt  }
.Lfunc_end0:
.L_simem_size_0:
called_computation.1_lowered:
.L_overlay_start_0:
0x88: {  	s2 =	sld [smem:$0x3FD9]  }
0x89: {  	s3 =	sld [smem:$0x3FFE];
	_ =	sdelay $0x1  }
0x8a: {  	s1 =	srdreg.scid  }
0x8b: {  	s0 =	sand.u32 $0x1, s1  }
0x8c: {  	s17 =	sshll.u32 s0, $0xA;
	s2 =	sadd.s32 s3, s2  }
0x8d: {  	s2 =	sadd.s32 s2, s17  }
0x8e: {  	[smem:$0x3FC6] =	sst s2  }
0x8f: {  	_ = 	snop  }
0x90: {  	s2 =	sld [smem:$0x3FD0];
	(tm) =	ssettm $0x1  }
0x91: {  	s18 =	sld [smem:$0x3FFB];
	_ =	sdelay $0x3  }
0x92: {  	_ =	strace s18  }
0x93: {  	s3 =	sld [smem:$0x3FFC];
	_ =	sdelay $0x3  }
0x94: {  	_ =	strace s3  }
0x95: {  	s3 =	sld [smem:$0x3FFD];
	_ =	sdelay $0x3  }
0x96: {  	_ =	strace s3  }
0x97: {  	_ =	strace $0x8FFFFFFF  }
0x98: {  	s19 =	sld [smem:$0x3FDB];
	_ =	sdelay $0x1  }
0x99: {  	s4 =	simm.s32 $_scs_section_size  }
0x9a: {  	s5 =	simm.s32 $_size__tile_overlayer_lowered;
	s6 =	simm.s32 $_tile_overlayer_lowered  }
0x9b: {  	s22 =	simm.s32 $0x1BFF;
	s21 =	sshll.u32 s6, $0x1;
	s3 =	sadd.s32 s4, s19  }
0x9c: {  	s7 =	simm.s32 $0x0;
	s20 =	sshll.u32 s5, $0x1;
	s5 =	sadd.s32 s21, s3  }
0x9d: {  	[timem:s7], [sflag:s22] =	dma.local [hbm:s5], s20  }
0x9e: {  	_ =	swait.ge [sflag:s22], s20  }
0x9f: {  	s4 =	ssub.s32 $0x0, s20;
	[sflag:s22] =	ssyncset.done $0x0  }
0xa0: {  	[sflag:s22] =	ssyncadd.s32 s4;
	_ =	sdelay $0x1  }
0xa1: {  	s23 =	simm.s32 $0x1B8B  }
0xa2: {  	_ =	swait.ge [sflag:s23], $0x1  }
0xa3: {  	[sflag:s23] =	ssyncset.done $0x0  }
0xa4: {  	s25 =	simm.s32 $0x1B8E;
	s24 =	sld [smem:$0x3FFE];
	[sflag:s23] =	ssyncadd.s32 $0xFFFFFFFF  }
0xa5: {  	s26 =	simm.s32 $execute0_lowered;
	[smem:$0x3FD2] =	sst s25  }
0xa6: {  	s5 =	sshll.u32 s26, $0x1;
	_ =	strace $0x80000049;
	[dreg:$0x1] =	wrdreg $0xFFFFFFFF  }
0xa7: {  	s28 =	simm.s32 $_size_execute0_lowered;
	s3 =	sadd.s32 s3, s5;
	[dreg:$0x0] =	wrdreg $0x0  }
0xa8: {  	s5 =	sshll.u32 s28, $0x1;
	[dreg:$0x2] =	wrdreg s3  }
0xa9: {  	[dreg:$0x3] =	wrdreg s5  }
0xaa: {  	[dreg:$0x4] =	wrdreg $0xC0  }
0xab: {  	_ =	task [dreg:s7], $0x5FFFF  }
0xac: {  	[dreg:$0x1] =	wrdreg $0xFFFFFFFF  }
0xad: {  	[dreg:$0x0] =	wrdreg $0x60  }
0xae: {  	[dreg:$0x2] =	wrdreg s24  }
0xaf: {  	[dreg:$0x3] =	wrdreg s2  }
0xb0: {  	[dreg:$0x4] =	wrdreg $0x60000  }
0xb1: {  	[dreg:$0x5] =	wrdreg $0x9  }
0xb2: {  	_ =	task.clear_ibuf [dreg:s7], $0x6FFFF;
	_ =	strace $0x90000049  }
0xb3: {  	s29 =	simm.s32 $0x9;
	_ =	strace $0x8000004B  }
0xb4: {  	_ =	swait.ge [sflag:s29], $0x1  }
0xb5: {  	[sflag:s29] =	ssyncadd.s32 $0xFFFFFFFF  }
0xb6: {  	_ =	strace $0x9000004B  }
0xb7: {  	_ =	sfence  }
0xb8: {  	s30 =	sld [smem:$0x0];
	_ =	sdelay $0x2  }
0xb9: {  	s31 =	sshll.u32 s1, $0xD;
	s1 =	sshrl.u32 s1, $0x2  }
0xba: {  	s3 =	sand.u32 $0x4000, s31;
	s1 =	sadd.s32 s1, s30  }
0xbb: {  	s0 =	sor.u32 s3, s0;
	s1 =	sshll.u32 s1, $0x11  }
0xbc: {  	s0 =	sor.u32 s1, s0  }
0xbd: {  	s0 =	sadd.s32 $0x8F2B, s0  }
0xbe: {  	[sflag:s0] =	ssyncadd.remote.s32 $0x1  }
0xbf: {  	_ =	sfence.sel $0xFFFF  }
0xc0: {  	[dreg:$0x0] =	wrdreg $0xFFFFFFFF;
	(pc) =	sbr.abs _section_cstart, $3  }
0xc1: {  	[dreg:$0x1] =	wrdreg $0xFFFFFFFF  }
0xc2: {  	_ =	task.clear_ibuf [dreg:s7], $0x2FFFF;
	_ =	strace $0x9FFFFFFF  }
0xc3: {  	(tm) =	ssettm $0x7FFFFFFF  }
tec
execute0_lowered:
.L_overlay_start_1:
0x0: {  	(tag) =	ssettag $0x1  }
0x1: {  	s4 =	rddreg [dreg:$0x0]  }
0x2: {  	s0 =	srdreg.scid;
	s8 =	rddreg [dreg:$0x1]  }
0x3: {  	s2 =	rddreg [dreg:$0x2];
	s1 =	stileid.u32;
	s3 =	simm.s32 $0x0  }
0x4: {  	s12 =	simm.s32 $0x500;
	s13 =	simm.s32 $0xA00;
	s14 =	simm.s32 $0xE00  }
0x5: {  	s15 =	simm.s32 $0x4E00;
	s5 =	sand.u32 $0x1, s0;
	s0 =	rddreg [dreg:$0x3]  }
0x6: {  	s16 =	simm.s32 $0x5800;
	s17 =	simm.s32 $0x0;
	[smem:$0x7FF] =	sst s3  }
0x7: {  	s9 =	smul.u32 $0x500, s1;
	s31 =	sshll.u32 s1, $0xA;
	s6 =	sshll.u32 s5, $0x4  }
0x8: {  	_ =	strace $0x8000004A;
	s5 =	ssub.s32 $0x2, s5;
	s6 =	sor.u32 s1, s6  }
0x9: {  	s29 =	sshrl.u32 s9, $0x3;
	s11 =	sshrl.u32 s5, $0x1;
	s7 =	sshll.u32 s6, $0x6  }
0xa: {  	s10 =	sshll.u32 s6, $0x8;
	s11 =	ssub.s32 s5, s11;
	s6 =	sadd.s32 s31, s2  }
0xb: {  	s7 =	sadd.s32 s7, s4;
	s30 =	sadd.s32 s10, s4;
	s4 =	sadd.s32 s4, s29  }
0xc: {  	v0 =	vlaneseq.u32;
	s8 =	sadd.s32 s8, s10;
	s10 =	smax.u32 s11, $0x1;
	s11 =	simm.s32 $0x1  }
0xd: {  	v1 =	vand.u32 $0x3, v0;
	s5 =	sadd.s32 $0xA00, s4;
	s7 =	sadd.s32 $0x2400, s7;
	s9 =	sadd.s32 $0x2C00, s30  }
.LBB2_1:
0xe: {  	v2 =	vor.u32 s3, v0  }
0xf: {  	[tilespmem:s3], [sflag:$0x1] =	stream.linear.gather [hbm4b:s4+s3], $0x500, $0x38;
	v2 =	vshrl.u32 v2, $0x2;
	[tilespmem:$0x6400] =	vst v63  }
0x10: {  	_ =	swait.ge [sflag:s11], $0x500;
	v2 =	vmul.u32 $0x5, v2  }
0x11: {  	[sflag:s11] =	ssyncset.done $0x0  }
0x12: {  	[sflag:s11] =	ssyncadd.s32 $0xFFFFFB00;
	v3 =	vadd.s32 $0x4, v2  }
0x13: {  	[tilespmem:s12], [sflag:$0x1] =	stream.linear.gather [hbm4b:s5+s3], $0x500, $0x38;
	[tilespmem:$0x6400] =	vst v63  }
0x14: {  	_ =	swait.ge [sflag:s11], $0x500  }
0x15: {  	[sflag:s11] =	ssyncset.done $0x0  }
0x16: {  	[sflag:s11] =	ssyncadd.s32 $0xFFFFFB00  }
0x17: {  	v4 =	vld.idx.msk [tilespmem:v3+s3+$0x0], $0xffff  }
0x18: {  	v3 =	vld.idx.msk [tilespmem:v3+s12+$0x0], $0xffff;
	_ =	sdelay $0x4  }
0x19: {  	v2 =	vadd.s32 v1, v2;
	v3 =	vadd.f32 v3, v4;
	_ =	sdelay $0x1  }
0x1a: {  	v3 =	vmax.f32 v3, $1.000000000e+00  }
0x1b: {  	(erf) = vrcp.f32 v3;
	_ =	sdelay $0x1  }
0x1c: {  	v3 =	vld.idx.msk [tilespmem:v2+s12+$0x0], $0xffff  }
0x1d: {  	s18 =	simm.s32 $0x10;
	v2 =	vld.idx.msk [tilespmem:v2+s3+$0x0], $0xffff  }
0x1e: {  	v4 =	vor.u32 s18, v0  }
0x1f: {  	v4 =	vshrl.u32 v4, $0x2  }
0x20: {  	v4 =	vmul.u32 $0x5, v4;
	_ =	sdelay $0x1  }
0x21: {  	v5 =	vadd.s32 $0x4, v4;
	v2 =	vadd.f32 v3, v2  }
0x22: {  	v3 =	vpop (erf)  }
0x23: {  	v2 =	vmul.f32 v3, v2;
	_ =	sdelay $0x1  }
0x24: {  	[tilespmem:s13+$0x0] =	vst v2  }
0x25: {  	v2 =	vld.idx.msk [tilespmem:v5+s3+$0x0], $0xffff  }
0x26: {  	v3 =	vld.idx.msk [tilespmem:v5+s12+$0x0], $0xffff;
	_ =	sdelay $0x4  }
0x27: {  	v4 =	vadd.s32 v1, v4;
	v2 =	vadd.f32 v3, v2;
	_ =	sdelay $0x1  }
0x28: {  	v3 =	vmax.f32 v2, $1.000000000e+00  }
0x29: {  	(erf) = vrcp.f32 v3;
	_ =	sdelay $0x1  }
0x2a: {  	v2 =	vld.idx.msk [tilespmem:v4+s12+$0x0], $0xffff  }
0x2b: {  	s31 =	simm.s32 $0x20;
	v3 =	vld.idx.msk [tilespmem:v4+s3+$0x0], $0xffff  }
0x2c: {  	v5 =	vor.u32 s31, v0  }
0x2d: {  	s19 =	simm.s32 $0x30;
	s18 =	simm.s32 $0xA00;
	v4 =	vshrl.u32 v5, $0x2  }
.LBB2_2:
0x2e: {  	p0 =	sne.s32 s19, $0x3F0;
	v4 =	vmul.u32 $0x5, v4;
	_ =	sdelay $0x1  }
0x2f: {  	v2 =	vadd.f32 v2, v3;
	v5 =	vadd.s32 $0x4, v4  }
0x30: {  	v3 =	vpop (erf)  }
0x31: {  	v2 =	vmul.f32 v3, v2  }
0x32: {  	s18 =	sadd.s32 $0x10, s18  }
0x33: {  	[tilespmem:s18+$0x0] =	vst v2  }
0x34: {  	v2 =	vld.idx.msk [tilespmem:v5+s3+$0x0], $0xffff  }
0x35: {  	v3 =	vld.idx.msk [tilespmem:v5+s12+$0x0], $0xffff;
	_ =	sdelay $0x4  }
0x36: {  	v4 =	vadd.s32 v1, v4  }
0x37: {  	v2 =	vadd.f32 v3, v2;
	_ =	sdelay $0x1  }
0x38: {  	v2 =	vmax.f32 v2, $1.000000000e+00  }
0x39: {  	(erf) = vrcp.f32 v2  }
.Ltmp0:
0x3a: {  	v2 =	vld.idx.msk [tilespmem:v4+s12+$0x0], $0xffff;
	(pc) =	sbr.rel @p0 .LBB2_2-.Ltmp0, $3  }
0x3b: {  	v3 =	vld.idx.msk [tilespmem:v4+s3+$0x0], $0xffff;
	_ =	sdelay $0x1  }
0x3c: {  	v4 =	vor.u32 s19, v0  }
0x3d: {  	s19 =	sadd.s32 $0x10, s19;
	v4 =	vshrl.u32 v4, $0x2  }
0x3e: {  	v4 =	vmul.u32 $0x5, v4;
	_ =	sdelay $0x1  }
0x3f: {  	v2 =	vadd.f32 v2, v3;
	v5 =	vadd.s32 $0x4, v4  }
0x40: {  	v3 =	vpop (erf)  }
0x41: {  	v2 =	vmul.f32 v3, v2  }
0x42: {  	s18 =	sadd.s32 $0x10, s18  }
0x43: {  	[tilespmem:s18+$0x0] =	vst v2  }
0x44: {  	v2 =	vld.idx.msk [tilespmem:v5+s3+$0x0], $0xffff  }
0x45: {  	v3 =	vld.idx.msk [tilespmem:v5+s12+$0x0], $0xffff;
	_ =	sdelay $0x4  }
0x46: {  	v4 =	vadd.s32 v1, v4;
	v2 =	vadd.f32 v3, v2;
	_ =	sdelay $0x1  }
0x47: {  	v2 =	vmax.f32 v2, $1.000000000e+00  }
0x48: {  	(erf) = vrcp.f32 v2;
	_ =	sdelay $0x1  }
0x49: {  	v3 =	vld.idx.msk [tilespmem:v4+s3+$0x0], $0xffff  }
0x4a: {  	v2 =	vld.idx.msk [tilespmem:v4+s12+$0x0], $0xffff;
	_ =	sdelay $0x4  }
0x4b: {  	v2 =	vadd.f32 v2, v3  }
0x4c: {  	v3 =	vpop (erf)  }
0x4d: {  	v2 =	vmul.f32 v3, v2  }
0x4e: {  	s18 =	sadd.s32 $0x10, s18  }
0x4f: {  	[tilespmem:s18+$0x0] =	vst v2  }
0x50: {  	[spmem:s6] =	stream.linear.scatter [tilespmem:s13], [sflag:$0x1], $0x400, $0x38;
	[tilespmem:$0x6400] =	vst v63  }
0x51: {  	_ =	swait.ge [sflag:s11], $0x400  }
0x52: {  	[sflag:s11] =	ssyncset.done $0x0  }
0x53: {  	[sflag:s11] =	ssyncadd.s32 $0xFFFFFC00  }
0x54: {  	[bflag:$0x0] =	sbarrier.arrive $0xFFFF  }
0x55: {  	[tilespmem:s14], [sflag:$0x1] =	stream.linear.gather [spmem:s2], $0x4000, $0x38;
	[tilespmem:$0x6400] =	vst v63  }
0x56: {  	_ =	swait.ge [sflag:s11], $0x4000  }
0x57: {  	[sflag:s11] =	ssyncset.done $0x0  }
0x58: {  	s30 =	simm.s32 $0x0;
	[sflag:s11] =	ssyncadd.s32 $0xFFFFC000  }
0x59: {  	v3 =	vor.u32 s30, v0;
	v2 =	vmov s30;
	[tilespmem:s15], [sflag:$0x1] =	stream.linear.gather [hbm4b:s7+s30], $0x200, $0x38;
	[tilespmem:$0x6400] =	vst v63  }
0x5a: {  	v3 =	vshrl.u32 v3, $0x2;
	v2 =	vshrl.u32 v2, $0x2;
	_ =	swait.ge [sflag:s11], $0x200  }
0x5b: {  	v3 =	vand.u32 $0x7F, v3;
	v2 =	vand.u32 $0x180, v2;
	[sflag:s11] =	ssyncset.done $0x0  }
0x5c: {  	s19 =	simm.s32 $0x5000;
	v2 =	vor.u32 v2, v3;
	[sflag:s11] =	ssyncadd.s32 $0xFFFFFE00  }
0x5d: {  	[tilespmem:s19], [sflag:$0x1] =	stream.linear.gather [hbm4b:s8+s30], $0x800, $0x38;
	[tilespmem:$0x6400] =	vst v63  }
0x5e: {  	_ =	swait.ge [sflag:s11], $0x800  }
0x5f: {  	[sflag:s11] =	ssyncset.done $0x0  }
0x60: {  	[sflag:s11] =	ssyncadd.s32 $0xFFFFF800  }
0x61: {  	v2 =	vld.idx.msk [tilespmem:v2+s15+$0x0], $0xffff;
	_ =	sdelay $0x4  }
0x62: {  	v2 =	vshll.u32 v2, $0x2  }
0x63: {  	v2 =	vor.u32 v1, v2;
	_ =	sdelay $0x3  }
0x64: {  	s31 =	simm.s32 $0x10;
	v5 =	vld [tilespmem:s19+$0x0]  }
0x65: {  	v4 =	vor.u32 s31, v0;
	v3 =	vmov s31;
	v2 =	vld.idx.msk [tilespmem:v2+s14+$0x0], $0xffff  }
0x66: {  	v4 =	vshrl.u32 v4, $0x2;
	v3 =	vshrl.u32 v3, $0x2  }
0x67: {  	v4 =	vand.u32 $0x7F, v4;
	v3 =	vand.u32 $0x180, v3  }
0x68: {  	v3 =	vor.u32 v3, v4;
	_ =	sdelay $0x1  }
0x69: {  	v2 =	vmul.f32 v5, v2  }
0x6a: {  	s18 =	simm.s32 $0x5800  }
0x6b: {  	[tilespmem:s18+$0x0] =	vst v2  }
0x6c: {  	v2 =	vld.idx.msk [tilespmem:v3+s15+$0x0], $0xffff;
	_ =	sdelay $0x4  }
0x6d: {  	v2 =	vshll.u32 v2, $0x2  }
0x6e: {  	v2 =	vor.u32 v1, v2;
	_ =	sdelay $0x2  }
0x6f: {  	s19 =	simm.s32 $0x5010  }
0x70: {  	s20 =	simm.s32 $0x20;
	v3 =	vld [tilespmem:s19+$0x0]  }
0x71: {  	v4 =	vmov s20;
	v5 =	vor.u32 s20, v0;
	s20 =	simm.s32 $0x30;
	v2 =	vld.idx.msk [tilespmem:v2+s14+$0x0], $0xffff  }
.LBB2_4:
0x72: {  	p0 =	sne.s32 s20, $0x7F0;
	v5 =	vshrl.u32 v5, $0x2;
	v4 =	vshrl.u32 v4, $0x2  }
0x73: {  	v5 =	vand.u32 $0x7F, v5;
	v4 =	vand.u32 $0x180, v4  }
0x74: {  	v4 =	vor.u32 v4, v5;
	_ =	sdelay $0x1  }
0x75: {  	v2 =	vmul.f32 v3, v2  }
0x76: {  	s18 =	sadd.s32 $0x10, s18  }
0x77: {  	[tilespmem:s18+$0x0] =	vst v2  }
0x78: {  	v2 =	vld.idx.msk [tilespmem:v4+s15+$0x0], $0xffff;
	_ =	sdelay $0x5  }
0x79: {  	v2 =	vshll.u32 v2, $0x2  }
0x7a: {  	v2 =	vor.u32 v1, v2;
	_ =	sdelay $0x1  }
.Ltmp1:
0x7b: {  	(pc) =	sbr.rel @p0 .LBB2_4-.Ltmp1, $3  }
0x7c: {  	_ =	sdelay $0x1  }
0x7d: {  	s19 =	sadd.s32 $0x10, s19;
	v2 =	vld.idx.msk [tilespmem:v2+s14+$0x0], $0xffff  }
0x7e: {  	v5 =	vor.u32 s20, v0;
	v4 =	vmov s20;
	s20 =	sadd.s32 $0x10, s20;
	v3 =	vld [tilespmem:s19+$0x0]  }
0x7f: {  	v5 =	vshrl.u32 v5, $0x2;
	v4 =	vshrl.u32 v4, $0x2  }
0x80: {  	v5 =	vand.u32 $0x7F, v5;
	v4 =	vand.u32 $0x180, v4  }
0x81: {  	v4 =	vor.u32 v4, v5;
	_ =	sdelay $0x1  }
0x82: {  	v2 =	vmul.f32 v3, v2  }
0x83: {  	s18 =	sadd.s32 $0x10, s18  }
0x84: {  	[tilespmem:s18+$0x0] =	vst v2  }
0x85: {  	v2 =	vld.idx.msk [tilespmem:v4+s15+$0x0], $0xffff;
	_ =	sdelay $0x4  }
0x86: {  	v2 =	vshll.u32 v2, $0x2  }
0x87: {  	v2 =	vor.u32 v1, v2;
	_ =	sdelay $0x2  }
0x88: {  	s19 =	sadd.s32 $0x10, s19  }
0x89: {  	v3 =	vld [tilespmem:s19+$0x0]  }
0x8a: {  	v2 =	vld.idx.msk [tilespmem:v2+s14+$0x0], $0xffff;
	_ =	sdelay $0x4  }
0x8b: {  	s17 =	sadd.s32 $0x1, s17;
	v2 =	vmul.f32 v3, v2  }
0x8c: {  	p0 =	sne.s32 s17, s10;
	s18 =	sadd.s32 $0x10, s18  }
.Ltmp2:
0x8d: {  	[tilespmem:s18+$0x0] =	vst v2;
	(pc) =	sbr.rel @p0 .LBB2_1-.Ltmp2, $4  }
0x8e: {  	[hbm4b:s9+s3] =	stream.linear.scatter [tilespmem:s16], [sflag:$0x1], $0x800, $0x38;
	[tilespmem:$0x6400] =	vst v63  }
0x8f: {  	_ =	swait.ge [sflag:s11], $0x800  }
0x90: {  	[sflag:s11] =	ssyncset.done $0x0  }
0x91: {  	[sflag:s11] =	ssyncadd.s32 $0xFFFFF800  }
0x92: {  	_ =	sfence.sel $0x180000  }
0x93: {  	[bflag:$0x0] =	sbarrier.arrive $0xFFFF  }
0x94: {  	p0 =	sne.s32 s1, $0x0;
	_ =	strace $0x9000004A  }
0x95: {  	s0 =	sadd.s32 @!p0 $0x100000, s0;
	[bflag:$0x2] =	sbarrier.arrive $0xFFFF  }
0x96: {  	[sflag:s0] =	ssyncadd.tile.s32 @!p0 $0x1;
	_ =	shalt  }
.Lfunc_end2:
_tile_overlayer_lowered:
.L_overlay_start_2:
0x97: {  	(tag) =	ssettag $0x2  }
0x98: {  	s0 =	rddreg [dreg:$0x0];
	s2 =	stileid.u32  }
0x99: {  	s1 =	rddreg [dreg:$0x1];
	p0 =	sne.s32 s2, $0x0  }
0x9a: {  	s3 =	rddreg [dreg:$0x2];
	[bflag:$0x3] =	sbarrier.arrive $0xFFFF;
	s2 =	simm.s32 @!p0 $0x1C01  }
0x9b: {  	[timem:s3], [sflag:s2] =	dma.local @!p0 [hbm:s0], s1  }
0x9c: {  	s0 =	simm.s32 @!p0 $0x1  }
0x9d: {  	_ =	swait.ge @!p0 [sflag:s0], s1  }
0x9e: {  	s1 =	ssub.s32 @!p0 $0x0, s1;
	[sflag:s0] =	ssyncset.done @!p0 $0x0  }
0x9f: {  	[sflag:s0] =	ssyncadd.s32 @!p0 s1  }
0xa0: {  	[bflag:$0x3] =	sbarrier.arrive $0xFFFF  }
0xa1: {  	_ =	shalt  }

</sc_bundles>
